<compile_context>
chip_gen: v7x
topology: tpu7x:2x2x1
jax: 0.10.2.dev20260603
libtpu: 0.0.44.dev20260713+nightly
codegen_flags: <defaults>
</compile_context>

<pallas_src>
import functools

import jax
import jax.numpy as jnp
from jax import lax
from jax.experimental import pallas as pl
from jax.experimental.pallas import tpu as pltpu
from jax.experimental.pallas import tpu_sc as plsc

B = 16384
L = 50
D = 32
P = 4
DP = D * P


_NW = 32
_UV_ROWS = (L * B) // 128
_UV_ROWS_PER_W = _UV_ROWS // _NW
_CH = 8
_NCH = _UV_ROWS_PER_W // _CH
_ND_WORKERS = 16
_ND_ROWS_PER_W = (B // 128) // _ND_WORKERS


def _sc_gather(features, idx_uv2, nodes2):
    mesh = plsc.VectorSubcoreMesh(core_axis_name="c", subcore_axis_name="s")

    @functools.partial(
        pl.kernel,
        mesh=mesh,
        out_type=(
            jax.ShapeDtypeStruct((L * B, D), jnp.float32),
            jax.ShapeDtypeStruct((B, D), jnp.float32),
        ),
        scratch_types=[
            pltpu.VMEM((_CH, 128), jnp.int32),
            pltpu.VMEM((_CH, 128), jnp.int32),
            pltpu.VMEM((_CH * 128, D), jnp.float32),
            pltpu.VMEM((_CH * 128, D), jnp.float32),
            pltpu.SemaphoreType.DMA,
            pltpu.SemaphoreType.DMA,
        ],
        compiler_params=pltpu.CompilerParams(use_tc_tiling_on_sc=False, skip_device_barrier=True),
    )
    def k(feat_hbm, idx_hbm, nd_hbm, oute_hbm, outu_hbm,
          idx_v, idx_v2, rows_v, rows_v2, sem, semw):
        wid = lax.axis_index("s") * 2 + lax.axis_index("c")

        def gather_chunk(c, idxbuf, rowbuf):
            r0 = wid * _UV_ROWS_PER_W + c * _CH
            pltpu.sync_copy(idx_hbm.at[pl.ds(r0, _CH)], idxbuf)
            handles = []
            for j in range(_CH):
                handles.append(
                    pltpu.async_copy(
                        feat_hbm.at[idxbuf.at[j]],
                        rowbuf.at[pl.ds(j * 128, 128)],
                        sem,
                    )
                )
            for h in handles:
                h.wait()
            return pltpu.async_copy(
                rowbuf, oute_hbm.at[pl.ds(r0 * 128, _CH * 128)], semw)

        def pair(p, carry):
            wa = gather_chunk(2 * p, idx_v, rows_v)
            wb = gather_chunk(2 * p + 1, idx_v2, rows_v2)
            wa.wait()
            wb.wait()
            return carry

        lax.fori_loop(0, (_NCH - 1) // 2, pair, 0)
        gather_chunk(_NCH - 1, idx_v, rows_v).wait()

        @pl.when(wid < _ND_WORKERS)
        def _():
            n0 = wid * _ND_ROWS_PER_W
            pltpu.sync_copy(nd_hbm.at[pl.ds(n0, _ND_ROWS_PER_W)],
                            idx_v.at[pl.ds(0, _ND_ROWS_PER_W)])
            handles = []
            for j in range(_ND_ROWS_PER_W):
                handles.append(
                    pltpu.async_copy(
                        feat_hbm.at[idx_v.at[j]],
                        rows_v.at[pl.ds(j * 128, 128)],
                        sem,
                    )
                )
            for h in handles:
                h.wait()
            pltpu.sync_copy(rows_v.at[pl.ds(0, _ND_ROWS_PER_W * 128)],
                            outu_hbm.at[pl.ds(n0 * 128, _ND_ROWS_PER_W * 128)])

    return k(features, idx_uv2, nodes2)



_BP = B // P


def _dgt(a, b):
    return jax.lax.dot_general(a, b, (((1,), (1,)), ((), ())),
                               preferred_element_type=jnp.float32)


def _tc_body(e_ref, oh_ref, u_ref, wuv4_ref, wrr_ref, r2e32_ref, a14_ref,
             a24_ref, l14_ref, l24_ref, att24_ref, k4_ref, br4_ref,
             ba14_ref, bl14_ref, o_ref, acc, mstat, dstat):
    l = pl.program_id(0)
    e = e_ref[...]
    u = u_ref[...]
    oh = oh_ref[...]

    t2n = _dgt(wrr_ref[...], r2e32_ref[...])
    t2n_b = jnp.broadcast_to(t2n.astype(jnp.bfloat16)[None], (P, D, D))
    rterm = jax.lax.dot_general(
        t2n_b, oh, (((2,), (1,)), ((0,), (0,))),
        preferred_element_type=jnp.float32)
    xt = jnp.maximum(
        _dgt(wuv4_ref[...], e)
        + rterm.reshape(DP, _BP) + br4_ref[...], 0.0)
    uat = _dgt(a24_ref[...], u)
    at = jnp.maximum(jnp.dot(a14_ref[...], xt) + uat + ba14_ref[...], 0.0)
    st = jnp.dot(att24_ref[...], at)

    @pl.when(l == 0)
    def _():
        mstat[...] = jnp.full_like(mstat, -1e30)
        dstat[...] = jnp.zeros_like(dstat)
        acc[...] = jnp.zeros_like(acc)

    m_prev = mstat[...]
    m_new = jnp.maximum(m_prev, st)
    alpha = jnp.exp(m_prev - m_new)
    p = jnp.exp(st - m_new)
    mstat[...] = m_new
    d_new = dstat[...] * alpha + p
    dstat[...] = d_new
    alpha_x = jnp.dot(k4_ref[...], alpha)
    p_x = jnp.dot(k4_ref[...], p)
    acc_new = acc[...] * alpha_x + p_x * xt
    acc[...] = acc_new

    @pl.when(l == L - 1)
    def _():
        dn_x = jnp.dot(k4_ref[...], 1.0 / d_new)
        neigh = acc_new * dn_x
        out_t = jnp.maximum(
            _dgt(l14_ref[...], u) + jnp.dot(l24_ref[...], neigh)
            + bl14_ref[...], 0.0)
        o_ref[...] = out_t.T


def _tc_fused(E, oh, U, *weights):
    full = lambda arr: pl.BlockSpec(arr.shape, lambda l: (0,) * arr.ndim)
    return pl.pallas_call(
        _tc_body,
        grid=(L,),
        in_specs=[
            pl.BlockSpec((_BP, DP), lambda l: (l, 0)),
            pl.BlockSpec((P, D, _BP), lambda l: (0, 0, l)),
            pl.BlockSpec((_BP, DP), lambda l: (0, 0)),
        ] + [full(w) for w in weights],
        out_specs=pl.BlockSpec((_BP, DP), lambda l: (0, 0)),
        out_shape=jax.ShapeDtypeStruct((_BP, DP), jnp.float32),
        scratch_shapes=[
            pltpu.VMEM((DP, _BP), jnp.float32),
            pltpu.VMEM((P, _BP), jnp.float32),
            pltpu.VMEM((P, _BP), jnp.float32),
        ],
        compiler_params=pltpu.CompilerParams(skip_device_barrier=True),
    )(E, oh, U, *weights)


def kernel(nodes, history_uv, history_r, history_ut, features, r2e,
           W_r_w, W_r_b, att1_w, att1_b, att2_w, att2_b, lin1_w, lin1_b):
    del history_ut, att2_b
    nodes = nodes.astype(jnp.int32)
    idx_uv2 = history_uv.T.astype(jnp.int32).reshape(_UV_ROWS, 128)
    nodes2 = nodes.reshape(B // 128, 128)

    E, U = _sc_gather(features, idx_uv2, nodes2)
    E_pk = E.reshape(L * B // P, DP)
    U_pk = U.reshape(_BP, DP)

    rT2T = history_r.T.reshape(L * B // P, P).T
    oh = (jnp.arange(D, dtype=history_r.dtype)[None, :, None] ==
          rT2T[:, None, :]).astype(jnp.bfloat16)

    eye4 = jnp.eye(P, dtype=jnp.float32)
    r2e32 = jnp.zeros((D, D), jnp.float32).at[:r2e.shape[0]].set(r2e)
    wuv4 = jnp.kron(eye4, W_r_w[:, :D])
    wrr = W_r_w[:, D:]
    a14 = jnp.kron(eye4, att1_w[:, :D])
    a24 = jnp.kron(eye4, att1_w[:, D:])
    l14 = jnp.kron(eye4, lin1_w[:, :D])
    l24 = jnp.kron(eye4, lin1_w[:, D:])
    att24 = jnp.kron(eye4, att2_w)
    k4 = jnp.kron(eye4, jnp.ones((D, 1), jnp.float32))
    br4 = jnp.tile(W_r_b, P).reshape(DP, 1)
    ba14 = jnp.tile(att1_b, P).reshape(DP, 1)
    bl14 = jnp.tile(lin1_b, P).reshape(DP, 1)

    out_pk = _tc_fused(E_pk, oh, U_pk, wuv4, wrr, r2e32, a14, a24,
                       l14, l24, att24, k4, br4, ba14, bl14)
    return out_pk.reshape(B, D)

# --- scband reference (transcript-rebuilt; emitter-appended) ---
"""Pipeline reference for scband-uv-encoder-90829968376429 (READ-ONLY COPY).

The authoritative reference and input builder live on the scoring server;
editing this copy changes nothing except your own understanding.
"""

import jax, jax.numpy as jnp
import numpy as np

NUM_NODES = 1000000
EMBED_DIM = 32
NUM_RATINGS = 5
BATCH = 16384
HIST = 50


def setup_inputs(seed: int = 0) -> dict:
    key = jax.random.key(seed)
    ks = [jax.random.fold_in(key, i) for i in range(16)]
    d = EMBED_DIM
    inp = {}
    inp['nodes'] = jax.random.randint(ks[0], (BATCH,), 0, NUM_NODES, dtype=jnp.int64 if jax.config.jax_enable_x64 else jnp.int32)
    inp['history_uv'] = jax.random.randint(ks[1], (BATCH, HIST), 0, NUM_NODES)
    inp['history_r'] = jax.random.randint(ks[2], (BATCH, HIST), 0, NUM_RATINGS)
    inp['history_ut'] = jax.random.randint(ks[3], (BATCH, HIST), 0, 100000)
    # learned parameters
    inp['features'] = jax.random.normal(ks[4], (NUM_NODES, d), dtype=jnp.float32) * 0.05
    inp['r2e'] = jax.random.normal(ks[5], (NUM_RATINGS, d), dtype=jnp.float32) * 0.05
    inp['W_r_w'] = jax.random.normal(ks[6], (d, 2 * d), dtype=jnp.float32) * (1.0 / np.sqrt(2 * d))
    inp['W_r_b'] = jnp.zeros((d,), dtype=jnp.float32)
    inp['att1_w'] = jax.random.normal(ks[7], (d, 2 * d), dtype=jnp.float32) * (1.0 / np.sqrt(2 * d))
    inp['att1_b'] = jnp.zeros((d,), dtype=jnp.float32)
    inp['att2_w'] = jax.random.normal(ks[8], (1, d), dtype=jnp.float32) * (1.0 / np.sqrt(d))
    inp['att2_b'] = jnp.zeros((1,), dtype=jnp.float32)
    inp['lin1_w'] = jax.random.normal(ks[9], (d, 2 * d), dtype=jnp.float32) * (1.0 / np.sqrt(2 * d))
    inp['lin1_b'] = jnp.zeros((d,), dtype=jnp.float32)
    return inp


def reference(nodes, history_uv, history_r, history_ut, features, r2e, W_r_w, W_r_b, att1_w, att1_b, att2_w, att2_b, lin1_w, lin1_b):
    # UV_Aggregator (GraphRec-style attention over history)
    e_uv = jnp.take(features, history_uv, axis=0)   # [B, L, d] gather of neighbor/item embeddings
    e_r = jnp.take(r2e, history_r, axis=0)          # [B, L, d] rating embeddings
    x = jax.nn.relu(jnp.einsum('blk,ok->blo', jnp.concatenate([e_uv, e_r], axis=-1), W_r_w) + W_r_b)  # [B, L, d]
    u_rep = jnp.take(features, nodes, axis=0)       # [B, d] self features (features.weight[nodes])
    u_exp = jnp.broadcast_to(u_rep[:, None, :], x.shape)
    a = jax.nn.relu(jnp.einsum('blk,ok->blo', jnp.concatenate([x, u_exp], axis=-1), att1_w) + att1_b)  # [B, L, d]
    a = jnp.einsum('blk,ok->blo', a, att2_w) + att2_b  # [B, L, 1]
    att = jax.nn.softmax(a, axis=1)
    neigh_feats = jnp.sum(att * x, axis=1)          # [B, d]
    # UV_Encoder body
    combined = jnp.concatenate([u_rep, neigh_feats], axis=1)  # [B, 2d]
    out = jax.nn.relu(combined @ lin1_w.T + lin1_b)           # [B, d]
    return out

if __name__ == "__main__":
    import jax
    _d = setup_inputs()
    print(jax.jit(kernel)(*tuple(_d.values())))

</pallas_src>

<mosaic_0001>
#map = affine_map<(d0, d1) -> (0, 0)>
module attributes {stable_mosaic.version = 14 : i64} {
  func.func @k(%arg0: i32, %arg1: i32, %arg2: memref<1000000x32xf32, #tpu.memory_space<hbm>>, %arg3: memref<6400x128xi32, #tpu.memory_space<hbm>>, %arg4: memref<128x128xi32, #tpu.memory_space<hbm>>, %arg5: memref<819200x32xf32, #tpu.memory_space<hbm>>, %arg6: memref<16384x32xf32, #tpu.memory_space<hbm>>, %arg7: memref<8x128xi32, #tpu.memory_space<vmem>>, %arg8: memref<8x128xi32, #tpu.memory_space<vmem>>, %arg9: memref<1024x32xf32, #tpu.memory_space<vmem>>, %arg10: memref<1024x32xf32, #tpu.memory_space<vmem>>, %arg11: memref<!tpu.dma_semaphore, #tpu.memory_space<semaphore_mem>>, %arg12: memref<!tpu.dma_semaphore, #tpu.memory_space<semaphore_mem>>) attributes {dimension_semantics = [#tpu.dimension_semantics<core_parallel>, #tpu.dimension_semantics<subcore_parallel>], iteration_bounds = array<i64: 2, 16>, scalar_prefetch = 0 : i64, scratch_operands = 6 : i64, tpu.core_type = #tpu.core_type<sc_vector_subcore>, window_params = [{transform_indices = #map}, {transform_indices = #map}, {transform_indices = #map}, {transform_indices = #map}, {transform_indices = #map}]} {
    %mul3A = arith.constant 2 : i32
    %mul3A_0 = arith.muli %arg1, %mul3A : i32
    %add3A = arith.addi %mul3A_0, %arg0 : i32
    %scan3A = arith.constant 0 : i32
    %scan3A_1 = arith.constant 0 : i32
    %scan3A_2 = arith.constant 12 : i32
    %scan3A_3 = arith.addi %scan3A_1, %scan3A_2 : i32
    %scan3A_4 = arith.constant 1 : i32
    scf.for %scan3A_180 = %scan3A_1 to %scan3A_3 step %scan3A_4  : i32 {
      %mul3A_181 = arith.constant 2 : i32
      %mul3A_182 = arith.muli %mul3A_181, %scan3A_180 : i32
      %mul3A_183 = arith.constant 200 : i32
      %mul3A_184 = arith.muli %add3A, %mul3A_183 : i32
      %mul3A_185 = arith.constant 8 : i32
      %mul3A_186 = arith.muli %mul3A_182, %mul3A_185 : i32
      %add3A_187 = arith.addi %mul3A_184, %mul3A_186 : i32
      "tpu.region"() ({
        %run_scoped3A = tpu.sem_alloc : memref<!tpu.dma_semaphore, #tpu.memory_space<semaphore_mem>>
        %dma_start3A_537 = arith.constant 0 : i32
        %dma_start3A_538 = tpu.memref_slice %arg3[%add3A_187, %dma_start3A_537] : memref<6400x128xi32, #tpu.memory_space<hbm>> -> memref<8x128xi32, #tpu.memory_space<hbm>>
        %dma_start3A_539 = arith.constant 0 : i32
        %dma_start3A_540 = tpu.memref_slice %arg3[%add3A_187, %dma_start3A_539] : memref<6400x128xi32, #tpu.memory_space<hbm>> -> memref<8x128xi32, #tpu.memory_space<hbm>>
        tpu.enqueue_dma source(%dma_start3A_540 : memref<8x128xi32, #tpu.memory_space<hbm>>) target(%arg7 : memref<8x128xi32, #tpu.memory_space<vmem>>) target_semaphore(%run_scoped3A : memref<!tpu.dma_semaphore, #tpu.memory_space<semaphore_mem>>)
        %dma_wait3A_541 = arith.constant 0 : i32
        %dma_wait3A_542 = tpu.memref_slice %arg3[%add3A_187, %dma_wait3A_541] : memref<6400x128xi32, #tpu.memory_space<hbm>> -> memref<8x128xi32, #tpu.memory_space<hbm>>
        %dma_wait3A_543 = arith.constant 0 : i32
        %dma_wait3A_544 = tpu.memref_slice %arg3[%add3A_187, %dma_wait3A_543] : memref<6400x128xi32, #tpu.memory_space<hbm>> -> memref<8x128xi32, #tpu.memory_space<hbm>>
        tpu.wait_dma2 semaphore(%run_scoped3A : memref<!tpu.dma_semaphore, #tpu.memory_space<semaphore_mem>>) src(%dma_wait3A_544 : memref<8x128xi32, #tpu.memory_space<hbm>>) dst(%arg7 : memref<8x128xi32, #tpu.memory_space<vmem>>)
        tpu.yield
      }) : () -> ()
      %dma_start3A_188 = arith.constant 0 : i32
      %dma_start3A_189 = arith.constant 0 : i32
      %dma_start3A_190 = arith.constant 0 : i32
      %dma_start3A_191 = tpu.memref_slice %arg9[%dma_start3A_189, %dma_start3A_190] : memref<1024x32xf32, #tpu.memory_space<vmem>> -> memref<128x32xf32, #tpu.memory_space<vmem>>
      %dma_start3A_192 = arith.constant 0 : i32
      %dma_start3A_193 = tpu.memref_slice %arg7[%dma_start3A_188, %dma_start3A_192] : memref<8x128xi32, #tpu.memory_space<vmem>> -> memref<1x128xi32, #tpu.memory_space<vmem>>
      %dma_start3A_194 = tpu.memref_squeeze %dma_start3A_193 : memref<1x128xi32, #tpu.memory_space<vmem>> -> memref<128xi32, #tpu.memory_space<vmem>>
      %dma_start3A_195 = arith.constant 0 : i32
      %dma_start3A_196 = arith.constant 0 : i32
      %dma_start3A_197 = tpu.memref_slice %arg2[%dma_start3A_195, %dma_start3A_196] : memref<1000000x32xf32, #tpu.memory_space<hbm>> -> memref<1000000x32xf32, #tpu.memory_space<hbm>>
      tpu.enqueue_indirect_dma source(%dma_start3A_197 : memref<1000000x32xf32, #tpu.memory_space<hbm>>) target(%dma_start3A_191 : memref<128x32xf32, #tpu.memory_space<vmem>>) offsets(%dma_start3A_194 : memref<128xi32, #tpu.memory_space<vmem>>) semaphore(%arg11 : memref<!tpu.dma_semaphore, #tpu.memory_space<semaphore_mem>>)
      %dma_start3A_198 = arith.constant 1 : i32
      %dma_start3A_199 = arith.constant 128 : i32
      %dma_start3A_200 = arith.constant 0 : i32
      %dma_start3A_201 = tpu.memref_slice %arg9[%dma_start3A_199, %dma_start3A_200] : memref<1024x32xf32, #tpu.memory_space<vmem>> -> memref<128x32xf32, #tpu.memory_space<vmem>>
      %dma_start3A_202 = arith.constant 0 : i32
      %dma_start3A_203 = tpu.memref_slice %arg7[%dma_start3A_198, %dma_start3A_202] : memref<8x128xi32, #tpu.memory_space<vmem>> -> memref<1x128xi32, #tpu.memory_space<vmem>>
      %dma_start3A_204 = tpu.memref_squeeze %dma_start3A_203 : memref<1x128xi32, #tpu.memory_space<vmem>> -> memref<128xi32, #tpu.memory_space<vmem>>
      %dma_start3A_205 = arith.constant 0 : i32
      %dma_start3A_206 = arith.constant 0 : i32
      %dma_start3A_207 = tpu.memref_slice %arg2[%dma_start3A_205, %dma_start3A_206] : memref<1000000x32xf32, #tpu.memory_space<hbm>> -> memref<1000000x32xf32, #tpu.memory_space<hbm>>
      tpu.enqueue_indirect_dma source(%dma_start3A_207 : memref<1000000x32xf32, #tpu.memory_space<hbm>>) target(%dma_start3A_201 : memref<128x32xf32, #tpu.memory_space<vmem>>) offsets(%dma_start3A_204 : memref<128xi32, #tpu.memory_space<vmem>>) semaphore(%arg11 : memref<!tpu.dma_semaphore, #tpu.memory_space<semaphore_mem>>)
      %dma_start3A_208 = arith.constant 2 : i32
      %dma_start3A_209 = arith.constant 256 : i32
      %dma_start3A_210 = arith.constant 0 : i32
      %dma_start3A_211 = tpu.memref_slice %arg9[%dma_start3A_209, %dma_start3A_210] : memref<1024x32xf32, #tpu.memory_space<vmem>> -> memref<128x32xf32, #tpu.memory_space<vmem>>
      %dma_start3A_212 = arith.constant 0 : i32
      %dma_start3A_213 = tpu.memref_slice %arg7[%dma_start3A_208, %dma_start3A_212] : memref<8x128xi32, #tpu.memory_space<vmem>> -> memref<1x128xi32, #tpu.memory_space<vmem>>
      %dma_start3A_214 = tpu.memref_squeeze %dma_start3A_213 : memref<1x128xi32, #tpu.memory_space<vmem>> -> memref<128xi32, #tpu.memory_space<vmem>>
      %dma_start3A_215 = arith.constant 0 : i32
      %dma_start3A_216 = arith.constant 0 : i32
      %dma_start3A_217 = tpu.memref_slice %arg2[%dma_start3A_215, %dma_start3A_216] : memref<1000000x32xf32, #tpu.memory_space<hbm>> -> memref<1000000x32xf32, #tpu.memory_space<hbm>>
      tpu.enqueue_indirect_dma source(%dma_start3A_217 : memref<1000000x32xf32, #tpu.memory_space<hbm>>) target(%dma_start3A_211 : memref<128x32xf32, #tpu.memory_space<vmem>>) offsets(%dma_start3A_214 : memref<128xi32, #tpu.memory_space<vmem>>) semaphore(%arg11 : memref<!tpu.dma_semaphore, #tpu.memory_space<semaphore_mem>>)
      %dma_start3A_218 = arith.constant 3 : i32
      %dma_start3A_219 = arith.constant 384 : i32
      %dma_start3A_220 = arith.constant 0 : i32
      %dma_start3A_221 = tpu.memref_slice %arg9[%dma_start3A_219, %dma_start3A_220] : memref<1024x32xf32, #tpu.memory_space<vmem>> -> memref<128x32xf32, #tpu.memory_space<vmem>>
      %dma_start3A_222 = arith.constant 0 : i32
      %dma_start3A_223 = tpu.memref_slice %arg7[%dma_start3A_218, %dma_start3A_222] : memref<8x128xi32, #tpu.memory_space<vmem>> -> memref<1x128xi32, #tpu.memory_space<vmem>>
      %dma_start3A_224 = tpu.memref_squeeze %dma_start3A_223 : memref<1x128xi32, #tpu.memory_space<vmem>> -> memref<128xi32, #tpu.memory_space<vmem>>
      %dma_start3A_225 = arith.constant 0 : i32
      %dma_start3A_226 = arith.constant 0 : i32
      %dma_start3A_227 = tpu.memref_slice %arg2[%dma_start3A_225, %dma_start3A_226] : memref<1000000x32xf32, #tpu.memory_space<hbm>> -> memref<1000000x32xf32, #tpu.memory_space<hbm>>
      tpu.enqueue_indirect_dma source(%dma_start3A_227 : memref<1000000x32xf32, #tpu.memory_space<hbm>>) target(%dma_start3A_221 : memref<128x32xf32, #tpu.memory_space<vmem>>) offsets(%dma_start3A_224 : memref<128xi32, #tpu.memory_space<vmem>>) semaphore(%arg11 : memref<!tpu.dma_semaphore, #tpu.memory_space<semaphore_mem>>)
      %dma_start3A_228 = arith.constant 4 : i32
      %dma_start3A_229 = arith.constant 512 : i32
      %dma_start3A_230 = arith.constant 0 : i32
      %dma_start3A_231 = tpu.memref_slice %arg9[%dma_start3A_229, %dma_start3A_230] : memref<1024x32xf32, #tpu.memory_space<vmem>> -> memref<128x32xf32, #tpu.memory_space<vmem>>
      %dma_start3A_232 = arith.constant 0 : i32
      %dma_start3A_233 = tpu.memref_slice %arg7[%dma_start3A_228, %dma_start3A_232] : memref<8x128xi32, #tpu.memory_space<vmem>> -> memref<1x128xi32, #tpu.memory_space<vmem>>
      %dma_start3A_234 = tpu.memref_squeeze %dma_start3A_233 : memref<1x128xi32, #tpu.memory_space<vmem>> -> memref<128xi32, #tpu.memory_space<vmem>>
      %dma_start3A_235 = arith.constant 0 : i32
      %dma_start3A_236 = arith.constant 0 : i32
      %dma_start3A_237 = tpu.memref_slice %arg2[%dma_start3A_235, %dma_start3A_236] : memref<1000000x32xf32, #tpu.memory_space<hbm>> -> memref<1000000x32xf32, #tpu.memory_space<hbm>>
      tpu.enqueue_indirect_dma source(%dma_start3A_237 : memref<1000000x32xf32, #tpu.memory_space<hbm>>) target(%dma_start3A_231 : memref<128x32xf32, #tpu.memory_space<vmem>>) offsets(%dma_start3A_234 : memref<128xi32, #tpu.memory_space<vmem>>) semaphore(%arg11 : memref<!tpu.dma_semaphore, #tpu.memory_space<semaphore_mem>>)
      %dma_start3A_238 = arith.constant 5 : i32
      %dma_start3A_239 = arith.constant 640 : i32
      %dma_start3A_240 = arith.constant 0 : i32
      %dma_start3A_241 = tpu.memref_slice %arg9[%dma_start3A_239, %dma_start3A_240] : memref<1024x32xf32, #tpu.memory_space<vmem>> -> memref<128x32xf32, #tpu.memory_space<vmem>>
      %dma_start3A_242 = arith.constant 0 : i32
      %dma_start3A_243 = tpu.memref_slice %arg7[%dma_start3A_238, %dma_start3A_242] : memref<8x128xi32, #tpu.memory_space<vmem>> -> memref<1x128xi32, #tpu.memory_space<vmem>>
      %dma_start3A_244 = tpu.memref_squeeze %dma_start3A_243 : memref<1x128xi32, #tpu.memory_space<vmem>> -> memref<128xi32, #tpu.memory_space<vmem>>
      %dma_start3A_245 = arith.constant 0 : i32
      %dma_start3A_246 = arith.constant 0 : i32
      %dma_start3A_247 = tpu.memref_slice %arg2[%dma_start3A_245, %dma_start3A_246] : memref<1000000x32xf32, #tpu.memory_space<hbm>> -> memref<1000000x32xf32, #tpu.memory_space<hbm>>
      tpu.enqueue_indirect_dma source(%dma_start3A_247 : memref<1000000x32xf32, #tpu.memory_space<hbm>>) target(%dma_start3A_241 : memref<128x32xf32, #tpu.memory_space<vmem>>) offsets(%dma_start3A_244 : memref<128xi32, #tpu.memory_space<vmem>>) semaphore(%arg11 : memref<!tpu.dma_semaphore, #tpu.memory_space<semaphore_mem>>)
      %dma_start3A_248 = arith.constant 6 : i32
      %dma_start3A_249 = arith.constant 768 : i32
      %dma_start3A_250 = arith.constant 0 : i32
      %dma_start3A_251 = tpu.memref_slice %arg9[%dma_start3A_249, %dma_start3A_250] : memref<1024x32xf32, #tpu.memory_space<vmem>> -> memref<128x32xf32, #tpu.memory_space<vmem>>
      %dma_start3A_252 = arith.constant 0 : i32
      %dma_start3A_253 = tpu.memref_slice %arg7[%dma_start3A_248, %dma_start3A_252] : memref<8x128xi32, #tpu.memory_space<vmem>> -> memref<1x128xi32, #tpu.memory_space<vmem>>
      %dma_start3A_254 = tpu.memref_squeeze %dma_start3A_253 : memref<1x128xi32, #tpu.memory_space<vmem>> -> memref<128xi32, #tpu.memory_space<vmem>>
      %dma_start3A_255 = arith.constant 0 : i32
      %dma_start3A_256 = arith.constant 0 : i32
      %dma_start3A_257 = tpu.memref_slice %arg2[%dma_start3A_255, %dma_start3A_256] : memref<1000000x32xf32, #tpu.memory_space<hbm>> -> memref<1000000x32xf32, #tpu.memory_space<hbm>>
      tpu.enqueue_indirect_dma source(%dma_start3A_257 : memref<1000000x32xf32, #tpu.memory_space<hbm>>) target(%dma_start3A_251 : memref<128x32xf32, #tpu.memory_space<vmem>>) offsets(%dma_start3A_254 : memref<128xi32, #tpu.memory_space<vmem>>) semaphore(%arg11 : memref<!tpu.dma_semaphore, #tpu.memory_space<semaphore_mem>>)
      %dma_start3A_258 = arith.constant 7 : i32
      %dma_start3A_259 = arith.constant 896 : i32
      %dma_start3A_260 = arith.constant 0 : i32
      %dma_start3A_261 = tpu.memref_slice %arg9[%dma_start3A_259, %dma_start3A_260] : memref<1024x32xf32, #tpu.memory_space<vmem>> -> memref<128x32xf32, #tpu.memory_space<vmem>>
      %dma_start3A_262 = arith.constant 0 : i32
      %dma_start3A_263 = tpu.memref_slice %arg7[%dma_start3A_258, %dma_start3A_262] : memref<8x128xi32, #tpu.memory_space<vmem>> -> memref<1x128xi32, #tpu.memory_space<vmem>>
      %dma_start3A_264 = tpu.memref_squeeze %dma_start3A_263 : memref<1x128xi32, #tpu.memory_space<vmem>> -> memref<128xi32, #tpu.memory_space<vmem>>
      %dma_start3A_265 = arith.constant 0 : i32
      %dma_start3A_266 = arith.constant 0 : i32
      %dma_start3A_267 = tpu.memref_slice %arg2[%dma_start3A_265, %dma_start3A_266] : memref<1000000x32xf32, #tpu.memory_space<hbm>> -> memref<1000000x32xf32, #tpu.memory_space<hbm>>
      tpu.enqueue_indirect_dma source(%dma_start3A_267 : memref<1000000x32xf32, #tpu.memory_space<hbm>>) target(%dma_start3A_261 : memref<128x32xf32, #tpu.memory_space<vmem>>) offsets(%dma_start3A_264 : memref<128xi32, #tpu.memory_space<vmem>>) semaphore(%arg11 : memref<!tpu.dma_semaphore, #tpu.memory_space<semaphore_mem>>)
      %dma_wait3A_268 = arith.constant 0 : i32
      %dma_wait3A_269 = arith.constant 0 : i32
      %dma_wait3A_270 = arith.constant 0 : i32
      %dma_wait3A_271 = tpu.memref_slice %arg9[%dma_wait3A_269, %dma_wait3A_270] : memref<1024x32xf32, #tpu.memory_space<vmem>> -> memref<128x32xf32, #tpu.memory_space<vmem>>
      %dma_wait3A_272 = arith.constant 0 : i32
      %dma_wait3A_273 = tpu.memref_slice %arg7[%dma_wait3A_268, %dma_wait3A_272] : memref<8x128xi32, #tpu.memory_space<vmem>> -> memref<1x128xi32, #tpu.memory_space<vmem>>
      %dma_wait3A_274 = tpu.memref_squeeze %dma_wait3A_273 : memref<1x128xi32, #tpu.memory_space<vmem>> -> memref<128xi32, #tpu.memory_space<vmem>>
      %dma_wait3A_275 = arith.constant 0 : i32
      %dma_wait3A_276 = arith.constant 0 : i32
      %dma_wait3A_277 = tpu.memref_slice %arg2[%dma_wait3A_275, %dma_wait3A_276] : memref<1000000x32xf32, #tpu.memory_space<hbm>> -> memref<1000000x32xf32, #tpu.memory_space<hbm>>
      tpu.wait_indirect_dma semaphore(%arg11 : memref<!tpu.dma_semaphore, #tpu.memory_space<semaphore_mem>>) src(%dma_wait3A_277 : memref<1000000x32xf32, #tpu.memory_space<hbm>>) dst(%dma_wait3A_271 : memref<128x32xf32, #tpu.memory_space<vmem>>)
      %dma_wait3A_278 = arith.constant 1 : i32
      %dma_wait3A_279 = arith.constant 128 : i32
      %dma_wait3A_280 = arith.constant 0 : i32
      %dma_wait3A_281 = tpu.memref_slice %arg9[%dma_wait3A_279, %dma_wait3A_280] : memref<1024x32xf32, #tpu.memory_space<vmem>> -> memref<128x32xf32, #tpu.memory_space<vmem>>
      %dma_wait3A_282 = arith.constant 0 : i32
      %dma_wait3A_283 = tpu.memref_slice %arg7[%dma_wait3A_278, %dma_wait3A_282] : memref<8x128xi32, #tpu.memory_space<vmem>> -> memref<1x128xi32, #tpu.memory_space<vmem>>
      %dma_wait3A_284 = tpu.memref_squeeze %dma_wait3A_283 : memref<1x128xi32, #tpu.memory_space<vmem>> -> memref<128xi32, #tpu.memory_space<vmem>>
      %dma_wait3A_285 = arith.constant 0 : i32
      %dma_wait3A_286 = arith.constant 0 : i32
      %dma_wait3A_287 = tpu.memref_slice %arg2[%dma_wait3A_285, %dma_wait3A_286] : memref<1000000x32xf32, #tpu.memory_space<hbm>> -> memref<1000000x32xf32, #tpu.memory_space<hbm>>
      tpu.wait_indirect_dma semaphore(%arg11 : memref<!tpu.dma_semaphore, #tpu.memory_space<semaphore_mem>>) src(%dma_wait3A_287 : memref<1000000x32xf32, #tpu.memory_space<hbm>>) dst(%dma_wait3A_281 : memref<128x32xf32, #tpu.memory_space<vmem>>)
      %dma_wait3A_288 = arith.constant 2 : i32
      %dma_wait3A_289 = arith.constant 256 : i32
      %dma_wait3A_290 = arith.constant 0 : i32
      %dma_wait3A_291 = tpu.memref_slice %arg9[%dma_wait3A_289, %dma_wait3A_290] : memref<1024x32xf32, #tpu.memory_space<vmem>> -> memref<128x32xf32, #tpu.memory_space<vmem>>
      %dma_wait3A_292 = arith.constant 0 : i32
      %dma_wait3A_293 = tpu.memref_slice %arg7[%dma_wait3A_288, %dma_wait3A_292] : memref<8x128xi32, #tpu.memory_space<vmem>> -> memref<1x128xi32, #tpu.memory_space<vmem>>
      %dma_wait3A_294 = tpu.memref_squeeze %dma_wait3A_293 : memref<1x128xi32, #tpu.memory_space<vmem>> -> memref<128xi32, #tpu.memory_space<vmem>>
      %dma_wait3A_295 = arith.constant 0 : i32
      %dma_wait3A_296 = arith.constant 0 : i32
      %dma_wait3A_297 = tpu.memref_slice %arg2[%dma_wait3A_295, %dma_wait3A_296] : memref<1000000x32xf32, #tpu.memory_space<hbm>> -> memref<1000000x32xf32, #tpu.memory_space<hbm>>
      tpu.wait_indirect_dma semaphore(%arg11 : memref<!tpu.dma_semaphore, #tpu.memory_space<semaphore_mem>>) src(%dma_wait3A_297 : memref<1000000x32xf32, #tpu.memory_space<hbm>>) dst(%dma_wait3A_291 : memref<128x32xf32, #tpu.memory_space<vmem>>)
      %dma_wait3A_298 = arith.constant 3 : i32
      %dma_wait3A_299 = arith.constant 384 : i32
      %dma_wait3A_300 = arith.constant 0 : i32
      %dma_wait3A_301 = tpu.memref_slice %arg9[%dma_wait3A_299, %dma_wait3A_300] : memref<1024x32xf32, #tpu.memory_space<vmem>> -> memref<128x32xf32, #tpu.memory_space<vmem>>
      %dma_wait3A_302 = arith.constant 0 : i32
      %dma_wait3A_303 = tpu.memref_slice %arg7[%dma_wait3A_298, %dma_wait3A_302] : memref<8x128xi32, #tpu.memory_space<vmem>> -> memref<1x128xi32, #tpu.memory_space<vmem>>
      %dma_wait3A_304 = tpu.memref_squeeze %dma_wait3A_303 : memref<1x128xi32, #tpu.memory_space<vmem>> -> memref<128xi32, #tpu.memory_space<vmem>>
      %dma_wait3A_305 = arith.constant 0 : i32
      %dma_wait3A_306 = arith.constant 0 : i32
      %dma_wait3A_307 = tpu.memref_slice %arg2[%dma_wait3A_305, %dma_wait3A_306] : memref<1000000x32xf32, #tpu.memory_space<hbm>> -> memref<1000000x32xf32, #tpu.memory_space<hbm>>
      tpu.wait_indirect_dma semaphore(%arg11 : memref<!tpu.dma_semaphore, #tpu.memory_space<semaphore_mem>>) src(%dma_wait3A_307 : memref<1000000x32xf32, #tpu.memory_space<hbm>>) dst(%dma_wait3A_301 : memref<128x32xf32, #tpu.memory_space<vmem>>)
      %dma_wait3A_308 = arith.constant 4 : i32
      %dma_wait3A_309 = arith.constant 512 : i32
      %dma_wait3A_310 = arith.constant 0 : i32
      %dma_wait3A_311 = tpu.memref_slice %arg9[%dma_wait3A_309, %dma_wait3A_310] : memref<1024x32xf32, #tpu.memory_space<vmem>> -> memref<128x32xf32, #tpu.memory_space<vmem>>
      %dma_wait3A_312 = arith.constant 0 : i32
      %dma_wait3A_313 = tpu.memref_slice %arg7[%dma_wait3A_308, %dma_wait3A_312] : memref<8x128xi32, #tpu.memory_space<vmem>> -> memref<1x128xi32, #tpu.memory_space<vmem>>
      %dma_wait3A_314 = tpu.memref_squeeze %dma_wait3A_313 : memref<1x128xi32, #tpu.memory_space<vmem>> -> memref<128xi32, #tpu.memory_space<vmem>>
      %dma_wait3A_315 = arith.constant 0 : i32
      %dma_wait3A_316 = arith.constant 0 : i32
      %dma_wait3A_317 = tpu.memref_slice %arg2[%dma_wait3A_315, %dma_wait3A_316] : memref<1000000x32xf32, #tpu.memory_space<hbm>> -> memref<1000000x32xf32, #tpu.memory_space<hbm>>
      tpu.wait_indirect_dma semaphore(%arg11 : memref<!tpu.dma_semaphore, #tpu.memory_space<semaphore_mem>>) src(%dma_wait3A_317 : memref<1000000x32xf32, #tpu.memory_space<hbm>>) dst(%dma_wait3A_311 : memref<128x32xf32, #tpu.memory_space<vmem>>)
      %dma_wait3A_318 = arith.constant 5 : i32
      %dma_wait3A_319 = arith.constant 640 : i32
      %dma_wait3A_320 = arith.constant 0 : i32
      %dma_wait3A_321 = tpu.memref_slice %arg9[%dma_wait3A_319, %dma_wait3A_320] : memref<1024x32xf32, #tpu.memory_space<vmem>> -> memref<128x32xf32, #tpu.memory_space<vmem>>
      %dma_wait3A_322 = arith.constant 0 : i32
      %dma_wait3A_323 = tpu.memref_slice %arg7[%dma_wait3A_318, %dma_wait3A_322] : memref<8x128xi32, #tpu.memory_space<vmem>> -> memref<1x128xi32, #tpu.memory_space<vmem>>
      %dma_wait3A_324 = tpu.memref_squeeze %dma_wait3A_323 : memref<1x128xi32, #tpu.memory_space<vmem>> -> memref<128xi32, #tpu.memory_space<vmem>>
      %dma_wait3A_325 = arith.constant 0 : i32
      %dma_wait3A_326 = arith.constant 0 : i32
      %dma_wait3A_327 = tpu.memref_slice %arg2[%dma_wait3A_325, %dma_wait3A_326] : memref<1000000x32xf32, #tpu.memory_space<hbm>> -> memref<1000000x32xf32, #tpu.memory_space<hbm>>
      tpu.wait_indirect_dma semaphore(%arg11 : memref<!tpu.dma_semaphore, #tpu.memory_space<semaphore_mem>>) src(%dma_wait3A_327 : memref<1000000x32xf32, #tpu.memory_space<hbm>>) dst(%dma_wait3A_321 : memref<128x32xf32, #tpu.memory_space<vmem>>)
      %dma_wait3A_328 = arith.constant 6 : i32
      %dma_wait3A_329 = arith.constant 768 : i32
      %dma_wait3A_330 = arith.constant 0 : i32
      %dma_wait3A_331 = tpu.memref_slice %arg9[%dma_wait3A_329, %dma_wait3A_330] : memref<1024x32xf32, #tpu.memory_space<vmem>> -> memref<128x32xf32, #tpu.memory_space<vmem>>
      %dma_wait3A_332 = arith.constant 0 : i32
      %dma_wait3A_333 = tpu.memref_slice %arg7[%dma_wait3A_328, %dma_wait3A_332] : memref<8x128xi32, #tpu.memory_space<vmem>> -> memref<1x128xi32, #tpu.memory_space<vmem>>
      %dma_wait3A_334 = tpu.memref_squeeze %dma_wait3A_333 : memref<1x128xi32, #tpu.memory_space<vmem>> -> memref<128xi32, #tpu.memory_space<vmem>>
      %dma_wait3A_335 = arith.constant 0 : i32
      %dma_wait3A_336 = arith.constant 0 : i32
      %dma_wait3A_337 = tpu.memref_slice %arg2[%dma_wait3A_335, %dma_wait3A_336] : memref<1000000x32xf32, #tpu.memory_space<hbm>> -> memref<1000000x32xf32, #tpu.memory_space<hbm>>
      tpu.wait_indirect_dma semaphore(%arg11 : memref<!tpu.dma_semaphore, #tpu.memory_space<semaphore_mem>>) src(%dma_wait3A_337 : memref<1000000x32xf32, #tpu.memory_space<hbm>>) dst(%dma_wait3A_331 : memref<128x32xf32, #tpu.memory_space<vmem>>)
      %dma_wait3A_338 = arith.constant 7 : i32
      %dma_wait3A_339 = arith.constant 896 : i32
      %dma_wait3A_340 = arith.constant 0 : i32
      %dma_wait3A_341 = tpu.memref_slice %arg9[%dma_wait3A_339, %dma_wait3A_340] : memref<1024x32xf32, #tpu.memory_space<vmem>> -> memref<128x32xf32, #tpu.memory_space<vmem>>
      %dma_wait3A_342 = arith.constant 0 : i32
      %dma_wait3A_343 = tpu.memref_slice %arg7[%dma_wait3A_338, %dma_wait3A_342] : memref<8x128xi32, #tpu.memory_space<vmem>> -> memref<1x128xi32, #tpu.memory_space<vmem>>
      %dma_wait3A_344 = tpu.memref_squeeze %dma_wait3A_343 : memref<1x128xi32, #tpu.memory_space<vmem>> -> memref<128xi32, #tpu.memory_space<vmem>>
      %dma_wait3A_345 = arith.constant 0 : i32
      %dma_wait3A_346 = arith.constant 0 : i32
      %dma_wait3A_347 = tpu.memref_slice %arg2[%dma_wait3A_345, %dma_wait3A_346] : memref<1000000x32xf32, #tpu.memory_space<hbm>> -> memref<1000000x32xf32, #tpu.memory_space<hbm>>
      tpu.wait_indirect_dma semaphore(%arg11 : memref<!tpu.dma_semaphore, #tpu.memory_space<semaphore_mem>>) src(%dma_wait3A_347 : memref<1000000x32xf32, #tpu.memory_space<hbm>>) dst(%dma_wait3A_341 : memref<128x32xf32, #tpu.memory_space<vmem>>)
      %mul3A_348 = arith.constant 128 : i32
      %mul3A_349 = arith.muli %add3A_187, %mul3A_348 : i32
      %dma_start3A_350 = arith.constant 0 : i32
      %dma_start3A_351 = tpu.memref_slice %arg5[%mul3A_349, %dma_start3A_350] : memref<819200x32xf32, #tpu.memory_space<hbm>> -> memref<1024x32xf32, #tpu.memory_space<hbm>>
      %dma_start3A_352 = arith.constant 0 : i32
      %dma_start3A_353 = tpu.memref_slice %arg5[%mul3A_349, %dma_start3A_352] : memref<819200x32xf32, #tpu.memory_space<hbm>> -> memref<1024x32xf32, #tpu.memory_space<hbm>>
      tpu.enqueue_dma source(%arg9 : memref<1024x32xf32, #tpu.memory_space<vmem>>) target(%dma_start3A_353 : memref<1024x32xf32, #tpu.memory_space<hbm>>) target_semaphore(%arg12 : memref<!tpu.dma_semaphore, #tpu.memory_space<semaphore_mem>>)
      %mul3A_354 = arith.constant 2 : i32
      %mul3A_355 = arith.muli %mul3A_354, %scan3A_180 : i32
      %add3A_356 = arith.constant 1 : i32
      %add3A_357 = arith.addi %mul3A_355, %add3A_356 : i32
      %mul3A_358 = arith.constant 200 : i32
      %mul3A_359 = arith.muli %add3A, %mul3A_358 : i32
      %mul3A_360 = arith.constant 8 : i32
      %mul3A_361 = arith.muli %add3A_357, %mul3A_360 : i32
      %add3A_362 = arith.addi %mul3A_359, %mul3A_361 : i32
      "tpu.region"() ({
        %run_scoped3A = tpu.sem_alloc : memref<!tpu.dma_semaphore, #tpu.memory_space<semaphore_mem>>
        %dma_start3A_537 = arith.constant 0 : i32
        %dma_start3A_538 = tpu.memref_slice %arg3[%add3A_362, %dma_start3A_537] : memref<6400x128xi32, #tpu.memory_space<hbm>> -> memref<8x128xi32, #tpu.memory_space<hbm>>
        %dma_start3A_539 = arith.constant 0 : i32
        %dma_start3A_540 = tpu.memref_slice %arg3[%add3A_362, %dma_start3A_539] : memref<6400x128xi32, #tpu.memory_space<hbm>> -> memref<8x128xi32, #tpu.memory_space<hbm>>
        tpu.enqueue_dma source(%dma_start3A_540 : memref<8x128xi32, #tpu.memory_space<hbm>>) target(%arg8 : memref<8x128xi32, #tpu.memory_space<vmem>>) target_semaphore(%run_scoped3A : memref<!tpu.dma_semaphore, #tpu.memory_space<semaphore_mem>>)
        %dma_wait3A_541 = arith.constant 0 : i32
        %dma_wait3A_542 = tpu.memref_slice %arg3[%add3A_362, %dma_wait3A_541] : memref<6400x128xi32, #tpu.memory_space<hbm>> -> memref<8x128xi32, #tpu.memory_space<hbm>>
        %dma_wait3A_543 = arith.constant 0 : i32
        %dma_wait3A_544 = tpu.memref_slice %arg3[%add3A_362, %dma_wait3A_543] : memref<6400x128xi32, #tpu.memory_space<hbm>> -> memref<8x128xi32, #tpu.memory_space<hbm>>
        tpu.wait_dma2 semaphore(%run_scoped3A : memref<!tpu.dma_semaphore, #tpu.memory_space<semaphore_mem>>) src(%dma_wait3A_544 : memref<8x128xi32, #tpu.memory_space<hbm>>) dst(%arg8 : memref<8x128xi32, #tpu.memory_space<vmem>>)
        tpu.yield
      }) : () -> ()
      %dma_start3A_363 = arith.constant 0 : i32
      %dma_start3A_364 = arith.constant 0 : i32
      %dma_start3A_365 = arith.constant 0 : i32
      %dma_start3A_366 = tpu.memref_slice %arg10[%dma_start3A_364, %dma_start3A_365] : memref<1024x32xf32, #tpu.memory_space<vmem>> -> memref<128x32xf32, #tpu.memory_space<vmem>>
      %dma_start3A_367 = arith.constant 0 : i32
      %dma_start3A_368 = tpu.memref_slice %arg8[%dma_start3A_363, %dma_start3A_367] : memref<8x128xi32, #tpu.memory_space<vmem>> -> memref<1x128xi32, #tpu.memory_space<vmem>>
      %dma_start3A_369 = tpu.memref_squeeze %dma_start3A_368 : memref<1x128xi32, #tpu.memory_space<vmem>> -> memref<128xi32, #tpu.memory_space<vmem>>
      %dma_start3A_370 = arith.constant 0 : i32
      %dma_start3A_371 = arith.constant 0 : i32
      %dma_start3A_372 = tpu.memref_slice %arg2[%dma_start3A_370, %dma_start3A_371] : memref<1000000x32xf32, #tpu.memory_space<hbm>> -> memref<1000000x32xf32, #tpu.memory_space<hbm>>
      tpu.enqueue_indirect_dma source(%dma_start3A_372 : memref<1000000x32xf32, #tpu.memory_space<hbm>>) target(%dma_start3A_366 : memref<128x32xf32, #tpu.memory_space<vmem>>) offsets(%dma_start3A_369 : memref<128xi32, #tpu.memory_space<vmem>>) semaphore(%arg11 : memref<!tpu.dma_semaphore, #tpu.memory_space<semaphore_mem>>)
      %dma_start3A_373 = arith.constant 1 : i32
      %dma_start3A_374 = arith.constant 128 : i32
      %dma_start3A_375 = arith.constant 0 : i32
      %dma_start3A_376 = tpu.memref_slice %arg10[%dma_start3A_374, %dma_start3A_375] : memref<1024x32xf32, #tpu.memory_space<vmem>> -> memref<128x32xf32, #tpu.memory_space<vmem>>
      %dma_start3A_377 = arith.constant 0 : i32
      %dma_start3A_378 = tpu.memref_slice %arg8[%dma_start3A_373, %dma_start3A_377] : memref<8x128xi32, #tpu.memory_space<vmem>> -> memref<1x128xi32, #tpu.memory_space<vmem>>
      %dma_start3A_379 = tpu.memref_squeeze %dma_start3A_378 : memref<1x128xi32, #tpu.memory_space<vmem>> -> memref<128xi32, #tpu.memory_space<vmem>>
      %dma_start3A_380 = arith.constant 0 : i32
      %dma_start3A_381 = arith.constant 0 : i32
      %dma_start3A_382 = tpu.memref_slice %arg2[%dma_start3A_380, %dma_start3A_381] : memref<1000000x32xf32, #tpu.memory_space<hbm>> -> memref<1000000x32xf32, #tpu.memory_space<hbm>>
      tpu.enqueue_indirect_dma source(%dma_start3A_382 : memref<1000000x32xf32, #tpu.memory_space<hbm>>) target(%dma_start3A_376 : memref<128x32xf32, #tpu.memory_space<vmem>>) offsets(%dma_start3A_379 : memref<128xi32, #tpu.memory_space<vmem>>) semaphore(%arg11 : memref<!tpu.dma_semaphore, #tpu.memory_space<semaphore_mem>>)
      %dma_start3A_383 = arith.constant 2 : i32
      %dma_start3A_384 = arith.constant 256 : i32
      %dma_start3A_385 = arith.constant 0 : i32
      %dma_start3A_386 = tpu.memref_slice %arg10[%dma_start3A_384, %dma_start3A_385] : memref<1024x32xf32, #tpu.memory_space<vmem>> -> memref<128x32xf32, #tpu.memory_space<vmem>>
      %dma_start3A_387 = arith.constant 0 : i32
      %dma_start3A_388 = tpu.memref_slice %arg8[%dma_start3A_383, %dma_start3A_387] : memref<8x128xi32, #tpu.memory_space<vmem>> -> memref<1x128xi32, #tpu.memory_space<vmem>>
      %dma_start3A_389 = tpu.memref_squeeze %dma_start3A_388 : memref<1x128xi32, #tpu.memory_space<vmem>> -> memref<128xi32, #tpu.memory_space<vmem>>
      %dma_start3A_390 = arith.constant 0 : i32
      %dma_start3A_391 = arith.constant 0 : i32
      %dma_start3A_392 = tpu.memref_slice %arg2[%dma_start3A_390, %dma_start3A_391] : memref<1000000x32xf32, #tpu.memory_space<hbm>> -> memref<1000000x32xf32, #tpu.memory_space<hbm>>
      tpu.enqueue_indirect_dma source(%dma_start3A_392 : memref<1000000x32xf32, #tpu.memory_space<hbm>>) target(%dma_start3A_386 : memref<128x32xf32, #tpu.memory_space<vmem>>) offsets(%dma_start3A_389 : memref<128xi32, #tpu.memory_space<vmem>>) semaphore(%arg11 : memref<!tpu.dma_semaphore, #tpu.memory_space<semaphore_mem>>)
      %dma_start3A_393 = arith.constant 3 : i32
      %dma_start3A_394 = arith.constant 384 : i32
      %dma_start3A_395 = arith.constant 0 : i32
      %dma_start3A_396 = tpu.memref_slice %arg10[%dma_start3A_394, %dma_start3A_395] : memref<1024x32xf32, #tpu.memory_space<vmem>> -> memref<128x32xf32, #tpu.memory_space<vmem>>
      %dma_start3A_397 = arith.constant 0 : i32
      %dma_start3A_398 = tpu.memref_slice %arg8[%dma_start3A_393, %dma_start3A_397] : memref<8x128xi32, #tpu.memory_space<vmem>> -> memref<1x128xi32, #tpu.memory_space<vmem>>
      %dma_start3A_399 = tpu.memref_squeeze %dma_start3A_398 : memref<1x128xi32, #tpu.memory_space<vmem>> -> memref<128xi32, #tpu.memory_space<vmem>>
      %dma_start3A_400 = arith.constant 0 : i32
      %dma_start3A_401 = arith.constant 0 : i32
      %dma_start3A_402 = tpu.memref_slice %arg2[%dma_start3A_400, %dma_start3A_401] : memref<1000000x32xf32, #tpu.memory_space<hbm>> -> memref<1000000x32xf32, #tpu.memory_space<hbm>>
      tpu.enqueue_indirect_dma source(%dma_start3A_402 : memref<1000000x32xf32, #tpu.memory_space<hbm>>) target(%dma_start3A_396 : memref<128x32xf32, #tpu.memory_space<vmem>>) offsets(%dma_start3A_399 : memref<128xi32, #tpu.memory_space<vmem>>) semaphore(%arg11 : memref<!tpu.dma_semaphore, #tpu.memory_space<semaphore_mem>>)
      %dma_start3A_403 = arith.constant 4 : i32
      %dma_start3A_404 = arith.constant 512 : i32
      %dma_start3A_405 = arith.constant 0 : i32
      %dma_start3A_406 = tpu.memref_slice %arg10[%dma_start3A_404, %dma_start3A_405] : memref<1024x32xf32, #tpu.memory_space<vmem>> -> memref<128x32xf32, #tpu.memory_space<vmem>>
      %dma_start3A_407 = arith.constant 0 : i32
      %dma_start3A_408 = tpu.memref_slice %arg8[%dma_start3A_403, %dma_start3A_407] : memref<8x128xi32, #tpu.memory_space<vmem>> -> memref<1x128xi32, #tpu.memory_space<vmem>>
      %dma_start3A_409 = tpu.memref_squeeze %dma_start3A_408 : memref<1x128xi32, #tpu.memory_space<vmem>> -> memref<128xi32, #tpu.memory_space<vmem>>
      %dma_start3A_410 = arith.constant 0 : i32
      %dma_start3A_411 = arith.constant 0 : i32
      %dma_start3A_412 = tpu.memref_slice %arg2[%dma_start3A_410, %dma_start3A_411] : memref<1000000x32xf32, #tpu.memory_space<hbm>> -> memref<1000000x32xf32, #tpu.memory_space<hbm>>
      tpu.enqueue_indirect_dma source(%dma_start3A_412 : memref<1000000x32xf32, #tpu.memory_space<hbm>>) target(%dma_start3A_406 : memref<128x32xf32, #tpu.memory_space<vmem>>) offsets(%dma_start3A_409 : memref<128xi32, #tpu.memory_space<vmem>>) semaphore(%arg11 : memref<!tpu.dma_semaphore, #tpu.memory_space<semaphore_mem>>)
      %dma_start3A_413 = arith.constant 5 : i32
      %dma_start3A_414 = arith.constant 640 : i32
      %dma_start3A_415 = arith.constant 0 : i32
      %dma_start3A_416 = tpu.memref_slice %arg10[%dma_start3A_414, %dma_start3A_415] : memref<1024x32xf32, #tpu.memory_space<vmem>> -> memref<128x32xf32, #tpu.memory_space<vmem>>
      %dma_start3A_417 = arith.constant 0 : i32
      %dma_start3A_418 = tpu.memref_slice %arg8[%dma_start3A_413, %dma_start3A_417] : memref<8x128xi32, #tpu.memory_space<vmem>> -> memref<1x128xi32, #tpu.memory_space<vmem>>
      %dma_start3A_419 = tpu.memref_squeeze %dma_start3A_418 : memref<1x128xi32, #tpu.memory_space<vmem>> -> memref<128xi32, #tpu.memory_space<vmem>>
      %dma_start3A_420 = arith.constant 0 : i32
      %dma_start3A_421 = arith.constant 0 : i32
      %dma_start3A_422 = tpu.memref_slice %arg2[%dma_start3A_420, %dma_start3A_421] : memref<1000000x32xf32, #tpu.memory_space<hbm>> -> memref<1000000x32xf32, #tpu.memory_space<hbm>>
      tpu.enqueue_indirect_dma source(%dma_start3A_422 : memref<1000000x32xf32, #tpu.memory_space<hbm>>) target(%dma_start3A_416 : memref<128x32xf32, #tpu.memory_space<vmem>>) offsets(%dma_start3A_419 : memref<128xi32, #tpu.memory_space<vmem>>) semaphore(%arg11 : memref<!tpu.dma_semaphore, #tpu.memory_space<semaphore_mem>>)
      %dma_start3A_423 = arith.constant 6 : i32
      %dma_start3A_424 = arith.constant 768 : i32
      %dma_start3A_425 = arith.constant 0 : i32
      %dma_start3A_426 = tpu.memref_slice %arg10[%dma_start3A_424, %dma_start3A_425] : memref<1024x32xf32, #tpu.memory_space<vmem>> -> memref<128x32xf32, #tpu.memory_space<vmem>>
      %dma_start3A_427 = arith.constant 0 : i32
      %dma_start3A_428 = tpu.memref_slice %arg8[%dma_start3A_423, %dma_start3A_427] : memref<8x128xi32, #tpu.memory_space<vmem>> -> memref<1x128xi32, #tpu.memory_space<vmem>>
      %dma_start3A_429 = tpu.memref_squeeze %dma_start3A_428 : memref<1x128xi32, #tpu.memory_space<vmem>> -> memref<128xi32, #tpu.memory_space<vmem>>
      %dma_start3A_430 = arith.constant 0 : i32
      %dma_start3A_431 = arith.constant 0 : i32
      %dma_start3A_432 = tpu.memref_slice %arg2[%dma_start3A_430, %dma_start3A_431] : memref<1000000x32xf32, #tpu.memory_space<hbm>> -> memref<1000000x32xf32, #tpu.memory_space<hbm>>
      tpu.enqueue_indirect_dma source(%dma_start3A_432 : memref<1000000x32xf32, #tpu.memory_space<hbm>>) target(%dma_start3A_426 : memref<128x32xf32, #tpu.memory_space<vmem>>) offsets(%dma_start3A_429 : memref<128xi32, #tpu.memory_space<vmem>>) semaphore(%arg11 : memref<!tpu.dma_semaphore, #tpu.memory_space<semaphore_mem>>)
      %dma_start3A_433 = arith.constant 7 : i32
      %dma_start3A_434 = arith.constant 896 : i32
      %dma_start3A_435 = arith.constant 0 : i32
      %dma_start3A_436 = tpu.memref_slice %arg10[%dma_start3A_434, %dma_start3A_435] : memref<1024x32xf32, #tpu.memory_space<vmem>> -> memref<128x32xf32, #tpu.memory_space<vmem>>
      %dma_start3A_437 = arith.constant 0 : i32
      %dma_start3A_438 = tpu.memref_slice %arg8[%dma_start3A_433, %dma_start3A_437] : memref<8x128xi32, #tpu.memory_space<vmem>> -> memref<1x128xi32, #tpu.memory_space<vmem>>
      %dma_start3A_439 = tpu.memref_squeeze %dma_start3A_438 : memref<1x128xi32, #tpu.memory_space<vmem>> -> memref<128xi32, #tpu.memory_space<vmem>>
      %dma_start3A_440 = arith.constant 0 : i32
      %dma_start3A_441 = arith.constant 0 : i32
      %dma_start3A_442 = tpu.memref_slice %arg2[%dma_start3A_440, %dma_start3A_441] : memref<1000000x32xf32, #tpu.memory_space<hbm>> -> memref<1000000x32xf32, #tpu.memory_space<hbm>>
      tpu.enqueue_indirect_dma source(%dma_start3A_442 : memref<1000000x32xf32, #tpu.memory_space<hbm>>) target(%dma_start3A_436 : memref<128x32xf32, #tpu.memory_space<vmem>>) offsets(%dma_start3A_439 : memref<128xi32, #tpu.memory_space<vmem>>) semaphore(%arg11 : memref<!tpu.dma_semaphore, #tpu.memory_space<semaphore_mem>>)
      %dma_wait3A_443 = arith.constant 0 : i32
      %dma_wait3A_444 = arith.constant 0 : i32
      %dma_wait3A_445 = arith.constant 0 : i32
      %dma_wait3A_446 = tpu.memref_slice %arg10[%dma_wait3A_444, %dma_wait3A_445] : memref<1024x32xf32, #tpu.memory_space<vmem>> -> memref<128x32xf32, #tpu.memory_space<vmem>>
      %dma_wait3A_447 = arith.constant 0 : i32
      %dma_wait3A_448 = tpu.memref_slice %arg8[%dma_wait3A_443, %dma_wait3A_447] : memref<8x128xi32, #tpu.memory_space<vmem>> -> memref<1x128xi32, #tpu.memory_space<vmem>>
      %dma_wait3A_449 = tpu.memref_squeeze %dma_wait3A_448 : memref<1x128xi32, #tpu.memory_space<vmem>> -> memref<128xi32, #tpu.memory_space<vmem>>
      %dma_wait3A_450 = arith.constant 0 : i32
      %dma_wait3A_451 = arith.constant 0 : i32
      %dma_wait3A_452 = tpu.memref_slice %arg2[%dma_wait3A_450, %dma_wait3A_451] : memref<1000000x32xf32, #tpu.memory_space<hbm>> -> memref<1000000x32xf32, #tpu.memory_space<hbm>>
      tpu.wait_indirect_dma semaphore(%arg11 : memref<!tpu.dma_semaphore, #tpu.memory_space<semaphore_mem>>) src(%dma_wait3A_452 : memref<1000000x32xf32, #tpu.memory_space<hbm>>) dst(%dma_wait3A_446 : memref<128x32xf32, #tpu.memory_space<vmem>>)
      %dma_wait3A_453 = arith.constant 1 : i32
      %dma_wait3A_454 = arith.constant 128 : i32
      %dma_wait3A_455 = arith.constant 0 : i32
      %dma_wait3A_456 = tpu.memref_slice %arg10[%dma_wait3A_454, %dma_wait3A_455] : memref<1024x32xf32, #tpu.memory_space<vmem>> -> memref<128x32xf32, #tpu.memory_space<vmem>>
      %dma_wait3A_457 = arith.constant 0 : i32
      %dma_wait3A_458 = tpu.memref_slice %arg8[%dma_wait3A_453, %dma_wait3A_457] : memref<8x128xi32, #tpu.memory_space<vmem>> -> memref<1x128xi32, #tpu.memory_space<vmem>>
      %dma_wait3A_459 = tpu.memref_squeeze %dma_wait3A_458 : memref<1x128xi32, #tpu.memory_space<vmem>> -> memref<128xi32, #tpu.memory_space<vmem>>
      %dma_wait3A_460 = arith.constant 0 : i32
      %dma_wait3A_461 = arith.constant 0 : i32
      %dma_wait3A_462 = tpu.memref_slice %arg2[%dma_wait3A_460, %dma_wait3A_461] : memref<1000000x32xf32, #tpu.memory_space<hbm>> -> memref<1000000x32xf32, #tpu.memory_space<hbm>>
      tpu.wait_indirect_dma semaphore(%arg11 : memref<!tpu.dma_semaphore, #tpu.memory_space<semaphore_mem>>) src(%dma_wait3A_462 : memref<1000000x32xf32, #tpu.memory_space<hbm>>) dst(%dma_wait3A_456 : memref<128x32xf32, #tpu.memory_space<vmem>>)
      %dma_wait3A_463 = arith.constant 2 : i32
      %dma_wait3A_464 = arith.constant 256 : i32
      %dma_wait3A_465 = arith.constant 0 : i32
      %dma_wait3A_466 = tpu.memref_slice %arg10[%dma_wait3A_464, %dma_wait3A_465] : memref<1024x32xf32, #tpu.memory_space<vmem>> -> memref<128x32xf32, #tpu.memory_space<vmem>>
      %dma_wait3A_467 = arith.constant 0 : i32
      %dma_wait3A_468 = tpu.memref_slice %arg8[%dma_wait3A_463, %dma_wait3A_467] : memref<8x128xi32, #tpu.memory_space<vmem>> -> memref<1x128xi32, #tpu.memory_space<vmem>>
      %dma_wait3A_469 = tpu.memref_squeeze %dma_wait3A_468 : memref<1x128xi32, #tpu.memory_space<vmem>> -> memref<128xi32, #tpu.memory_space<vmem>>
      %dma_wait3A_470 = arith.constant 0 : i32
      %dma_wait3A_471 = arith.constant 0 : i32
      %dma_wait3A_472 = tpu.memref_slice %arg2[%dma_wait3A_470, %dma_wait3A_471] : memref<1000000x32xf32, #tpu.memory_space<hbm>> -> memref<1000000x32xf32, #tpu.memory_space<hbm>>
      tpu.wait_indirect_dma semaphore(%arg11 : memref<!tpu.dma_semaphore, #tpu.memory_space<semaphore_mem>>) src(%dma_wait3A_472 : memref<1000000x32xf32, #tpu.memory_space<hbm>>) dst(%dma_wait3A_466 : memref<128x32xf32, #tpu.memory_space<vmem>>)
      %dma_wait3A_473 = arith.constant 3 : i32
      %dma_wait3A_474 = arith.constant 384 : i32
      %dma_wait3A_475 = arith.constant 0 : i32
      %dma_wait3A_476 = tpu.memref_slice %arg10[%dma_wait3A_474, %dma_wait3A_475] : memref<1024x32xf32, #tpu.memory_space<vmem>> -> memref<128x32xf32, #tpu.memory_space<vmem>>
      %dma_wait3A_477 = arith.constant 0 : i32
      %dma_wait3A_478 = tpu.memref_slice %arg8[%dma_wait3A_473, %dma_wait3A_477] : memref<8x128xi32, #tpu.memory_space<vmem>> -> memref<1x128xi32, #tpu.memory_space<vmem>>
      %dma_wait3A_479 = tpu.memref_squeeze %dma_wait3A_478 : memref<1x128xi32, #tpu.memory_space<vmem>> -> memref<128xi32, #tpu.memory_space<vmem>>
      %dma_wait3A_480 = arith.constant 0 : i32
      %dma_wait3A_481 = arith.constant 0 : i32
      %dma_wait3A_482 = tpu.memref_slice %arg2[%dma_wait3A_480, %dma_wait3A_481] : memref<1000000x32xf32, #tpu.memory_space<hbm>> -> memref<1000000x32xf32, #tpu.memory_space<hbm>>
      tpu.wait_indirect_dma semaphore(%arg11 : memref<!tpu.dma_semaphore, #tpu.memory_space<semaphore_mem>>) src(%dma_wait3A_482 : memref<1000000x32xf32, #tpu.memory_space<hbm>>) dst(%dma_wait3A_476 : memref<128x32xf32, #tpu.memory_space<vmem>>)
      %dma_wait3A_483 = arith.constant 4 : i32
      %dma_wait3A_484 = arith.constant 512 : i32
      %dma_wait3A_485 = arith.constant 0 : i32
      %dma_wait3A_486 = tpu.memref_slice %arg10[%dma_wait3A_484, %dma_wait3A_485] : memref<1024x32xf32, #tpu.memory_space<vmem>> -> memref<128x32xf32, #tpu.memory_space<vmem>>
      %dma_wait3A_487 = arith.constant 0 : i32
      %dma_wait3A_488 = tpu.memref_slice %arg8[%dma_wait3A_483, %dma_wait3A_487] : memref<8x128xi32, #tpu.memory_space<vmem>> -> memref<1x128xi32, #tpu.memory_space<vmem>>
      %dma_wait3A_489 = tpu.memref_squeeze %dma_wait3A_488 : memref<1x128xi32, #tpu.memory_space<vmem>> -> memref<128xi32, #tpu.memory_space<vmem>>
      %dma_wait3A_490 = arith.constant 0 : i32
      %dma_wait3A_491 = arith.constant 0 : i32
      %dma_wait3A_492 = tpu.memref_slice %arg2[%dma_wait3A_490, %dma_wait3A_491] : memref<1000000x32xf32, #tpu.memory_space<hbm>> -> memref<1000000x32xf32, #tpu.memory_space<hbm>>
      tpu.wait_indirect_dma semaphore(%arg11 : memref<!tpu.dma_semaphore, #tpu.memory_space<semaphore_mem>>) src(%dma_wait3A_492 : memref<1000000x32xf32, #tpu.memory_space<hbm>>) dst(%dma_wait3A_486 : memref<128x32xf32, #tpu.memory_space<vmem>>)
      %dma_wait3A_493 = arith.constant 5 : i32
      %dma_wait3A_494 = arith.constant 640 : i32
      %dma_wait3A_495 = arith.constant 0 : i32
      %dma_wait3A_496 = tpu.memref_slice %arg10[%dma_wait3A_494, %dma_wait3A_495] : memref<1024x32xf32, #tpu.memory_space<vmem>> -> memref<128x32xf32, #tpu.memory_space<vmem>>
      %dma_wait3A_497 = arith.constant 0 : i32
      %dma_wait3A_498 = tpu.memref_slice %arg8[%dma_wait3A_493, %dma_wait3A_497] : memref<8x128xi32, #tpu.memory_space<vmem>> -> memref<1x128xi32, #tpu.memory_space<vmem>>
      %dma_wait3A_499 = tpu.memref_squeeze %dma_wait3A_498 : memref<1x128xi32, #tpu.memory_space<vmem>> -> memref<128xi32, #tpu.memory_space<vmem>>
      %dma_wait3A_500 = arith.constant 0 : i32
      %dma_wait3A_501 = arith.constant 0 : i32
      %dma_wait3A_502 = tpu.memref_slice %arg2[%dma_wait3A_500, %dma_wait3A_501] : memref<1000000x32xf32, #tpu.memory_space<hbm>> -> memref<1000000x32xf32, #tpu.memory_space<hbm>>
      tpu.wait_indirect_dma semaphore(%arg11 : memref<!tpu.dma_semaphore, #tpu.memory_space<semaphore_mem>>) src(%dma_wait3A_502 : memref<1000000x32xf32, #tpu.memory_space<hbm>>) dst(%dma_wait3A_496 : memref<128x32xf32, #tpu.memory_space<vmem>>)
      %dma_wait3A_503 = arith.constant 6 : i32
      %dma_wait3A_504 = arith.constant 768 : i32
      %dma_wait3A_505 = arith.constant 0 : i32
      %dma_wait3A_506 = tpu.memref_slice %arg10[%dma_wait3A_504, %dma_wait3A_505] : memref<1024x32xf32, #tpu.memory_space<vmem>> -> memref<128x32xf32, #tpu.memory_space<vmem>>
      %dma_wait3A_507 = arith.constant 0 : i32
      %dma_wait3A_508 = tpu.memref_slice %arg8[%dma_wait3A_503, %dma_wait3A_507] : memref<8x128xi32, #tpu.memory_space<vmem>> -> memref<1x128xi32, #tpu.memory_space<vmem>>
      %dma_wait3A_509 = tpu.memref_squeeze %dma_wait3A_508 : memref<1x128xi32, #tpu.memory_space<vmem>> -> memref<128xi32, #tpu.memory_space<vmem>>
      %dma_wait3A_510 = arith.constant 0 : i32
      %dma_wait3A_511 = arith.constant 0 : i32
      %dma_wait3A_512 = tpu.memref_slice %arg2[%dma_wait3A_510, %dma_wait3A_511] : memref<1000000x32xf32, #tpu.memory_space<hbm>> -> memref<1000000x32xf32, #tpu.memory_space<hbm>>
      tpu.wait_indirect_dma semaphore(%arg11 : memref<!tpu.dma_semaphore, #tpu.memory_space<semaphore_mem>>) src(%dma_wait3A_512 : memref<1000000x32xf32, #tpu.memory_space<hbm>>) dst(%dma_wait3A_506 : memref<128x32xf32, #tpu.memory_space<vmem>>)
      %dma_wait3A_513 = arith.constant 7 : i32
      %dma_wait3A_514 = arith.constant 896 : i32
      %dma_wait3A_515 = arith.constant 0 : i32
      %dma_wait3A_516 = tpu.memref_slice %arg10[%dma_wait3A_514, %dma_wait3A_515] : memref<1024x32xf32, #tpu.memory_space<vmem>> -> memref<128x32xf32, #tpu.memory_space<vmem>>
      %dma_wait3A_517 = arith.constant 0 : i32
      %dma_wait3A_518 = tpu.memref_slice %arg8[%dma_wait3A_513, %dma_wait3A_517] : memref<8x128xi32, #tpu.memory_space<vmem>> -> memref<1x128xi32, #tpu.memory_space<vmem>>
      %dma_wait3A_519 = tpu.memref_squeeze %dma_wait3A_518 : memref<1x128xi32, #tpu.memory_space<vmem>> -> memref<128xi32, #tpu.memory_space<vmem>>
      %dma_wait3A_520 = arith.constant 0 : i32
      %dma_wait3A_521 = arith.constant 0 : i32
      %dma_wait3A_522 = tpu.memref_slice %arg2[%dma_wait3A_520, %dma_wait3A_521] : memref<1000000x32xf32, #tpu.memory_space<hbm>> -> memref<1000000x32xf32, #tpu.memory_space<hbm>>
      tpu.wait_indirect_dma semaphore(%arg11 : memref<!tpu.dma_semaphore, #tpu.memory_space<semaphore_mem>>) src(%dma_wait3A_522 : memref<1000000x32xf32, #tpu.memory_space<hbm>>) dst(%dma_wait3A_516 : memref<128x32xf32, #tpu.memory_space<vmem>>)
      %mul3A_523 = arith.constant 128 : i32
      %mul3A_524 = arith.muli %add3A_362, %mul3A_523 : i32
      %dma_start3A_525 = arith.constant 0 : i32
      %dma_start3A_526 = tpu.memref_slice %arg5[%mul3A_524, %dma_start3A_525] : memref<819200x32xf32, #tpu.memory_space<hbm>> -> memref<1024x32xf32, #tpu.memory_space<hbm>>
      %dma_start3A_527 = arith.constant 0 : i32
      %dma_start3A_528 = tpu.memref_slice %arg5[%mul3A_524, %dma_start3A_527] : memref<819200x32xf32, #tpu.memory_space<hbm>> -> memref<1024x32xf32, #tpu.memory_space<hbm>>
      tpu.enqueue_dma source(%arg10 : memref<1024x32xf32, #tpu.memory_space<vmem>>) target(%dma_start3A_528 : memref<1024x32xf32, #tpu.memory_space<hbm>>) target_semaphore(%arg12 : memref<!tpu.dma_semaphore, #tpu.memory_space<semaphore_mem>>)
      %dma_wait3A_529 = arith.constant 0 : i32
      %dma_wait3A_530 = tpu.memref_slice %arg5[%mul3A_349, %dma_wait3A_529] : memref<819200x32xf32, #tpu.memory_space<hbm>> -> memref<1024x32xf32, #tpu.memory_space<hbm>>
      %dma_wait3A_531 = arith.constant 0 : i32
      %dma_wait3A_532 = tpu.memref_slice %arg5[%mul3A_349, %dma_wait3A_531] : memref<819200x32xf32, #tpu.memory_space<hbm>> -> memref<1024x32xf32, #tpu.memory_space<hbm>>
      tpu.wait_dma2 semaphore(%arg12 : memref<!tpu.dma_semaphore, #tpu.memory_space<semaphore_mem>>) src(%arg9 : memref<1024x32xf32, #tpu.memory_space<vmem>>) dst(%dma_wait3A_532 : memref<1024x32xf32, #tpu.memory_space<hbm>>)
      %dma_wait3A_533 = arith.constant 0 : i32
      %dma_wait3A_534 = tpu.memref_slice %arg5[%mul3A_524, %dma_wait3A_533] : memref<819200x32xf32, #tpu.memory_space<hbm>> -> memref<1024x32xf32, #tpu.memory_space<hbm>>
      %dma_wait3A_535 = arith.constant 0 : i32
      %dma_wait3A_536 = tpu.memref_slice %arg5[%mul3A_524, %dma_wait3A_535] : memref<819200x32xf32, #tpu.memory_space<hbm>> -> memref<1024x32xf32, #tpu.memory_space<hbm>>
      tpu.wait_dma2 semaphore(%arg12 : memref<!tpu.dma_semaphore, #tpu.memory_space<semaphore_mem>>) src(%arg10 : memref<1024x32xf32, #tpu.memory_space<vmem>>) dst(%dma_wait3A_536 : memref<1024x32xf32, #tpu.memory_space<hbm>>)
    }
    %scan3A_5 = arith.constant 12 : i32
    %mul3A_6 = arith.constant 200 : i32
    %mul3A_7 = arith.muli %add3A, %mul3A_6 : i32
    %add3A_8 = arith.constant 192 : i32
    %add3A_9 = arith.addi %mul3A_7, %add3A_8 : i32
    "tpu.region"() ({
      %run_scoped3A = tpu.sem_alloc : memref<!tpu.dma_semaphore, #tpu.memory_space<semaphore_mem>>
      %dma_start3A_180 = arith.constant 0 : i32
      %dma_start3A_181 = tpu.memref_slice %arg3[%add3A_9, %dma_start3A_180] : memref<6400x128xi32, #tpu.memory_space<hbm>> -> memref<8x128xi32, #tpu.memory_space<hbm>>
      %dma_start3A_182 = arith.constant 0 : i32
      %dma_start3A_183 = tpu.memref_slice %arg3[%add3A_9, %dma_start3A_182] : memref<6400x128xi32, #tpu.memory_space<hbm>> -> memref<8x128xi32, #tpu.memory_space<hbm>>
      tpu.enqueue_dma source(%dma_start3A_183 : memref<8x128xi32, #tpu.memory_space<hbm>>) target(%arg7 : memref<8x128xi32, #tpu.memory_space<vmem>>) target_semaphore(%run_scoped3A : memref<!tpu.dma_semaphore, #tpu.memory_space<semaphore_mem>>)
      %dma_wait3A_184 = arith.constant 0 : i32
      %dma_wait3A_185 = tpu.memref_slice %arg3[%add3A_9, %dma_wait3A_184] : memref<6400x128xi32, #tpu.memory_space<hbm>> -> memref<8x128xi32, #tpu.memory_space<hbm>>
      %dma_wait3A_186 = arith.constant 0 : i32
      %dma_wait3A_187 = tpu.memref_slice %arg3[%add3A_9, %dma_wait3A_186] : memref<6400x128xi32, #tpu.memory_space<hbm>> -> memref<8x128xi32, #tpu.memory_space<hbm>>
      tpu.wait_dma2 semaphore(%run_scoped3A : memref<!tpu.dma_semaphore, #tpu.memory_space<semaphore_mem>>) src(%dma_wait3A_187 : memref<8x128xi32, #tpu.memory_space<hbm>>) dst(%arg7 : memref<8x128xi32, #tpu.memory_space<vmem>>)
      tpu.yield
    }) : () -> ()
    %dma_start3A = arith.constant 0 : i32
    %dma_start3A_10 = arith.constant 0 : i32
    %dma_start3A_11 = arith.constant 0 : i32
    %dma_start3A_12 = tpu.memref_slice %arg9[%dma_start3A_10, %dma_start3A_11] : memref<1024x32xf32, #tpu.memory_space<vmem>> -> memref<128x32xf32, #tpu.memory_space<vmem>>
    %dma_start3A_13 = arith.constant 0 : i32
    %dma_start3A_14 = tpu.memref_slice %arg7[%dma_start3A, %dma_start3A_13] : memref<8x128xi32, #tpu.memory_space<vmem>> -> memref<1x128xi32, #tpu.memory_space<vmem>>
    %dma_start3A_15 = tpu.memref_squeeze %dma_start3A_14 : memref<1x128xi32, #tpu.memory_space<vmem>> -> memref<128xi32, #tpu.memory_space<vmem>>
    %dma_start3A_16 = arith.constant 0 : i32
    %dma_start3A_17 = arith.constant 0 : i32
    %dma_start3A_18 = tpu.memref_slice %arg2[%dma_start3A_16, %dma_start3A_17] : memref<1000000x32xf32, #tpu.memory_space<hbm>> -> memref<1000000x32xf32, #tpu.memory_space<hbm>>
    tpu.enqueue_indirect_dma source(%dma_start3A_18 : memref<1000000x32xf32, #tpu.memory_space<hbm>>) target(%dma_start3A_12 : memref<128x32xf32, #tpu.memory_space<vmem>>) offsets(%dma_start3A_15 : memref<128xi32, #tpu.memory_space<vmem>>) semaphore(%arg11 : memref<!tpu.dma_semaphore, #tpu.memory_space<semaphore_mem>>)
    %dma_start3A_19 = arith.constant 1 : i32
    %dma_start3A_20 = arith.constant 128 : i32
    %dma_start3A_21 = arith.constant 0 : i32
    %dma_start3A_22 = tpu.memref_slice %arg9[%dma_start3A_20, %dma_start3A_21] : memref<1024x32xf32, #tpu.memory_space<vmem>> -> memref<128x32xf32, #tpu.memory_space<vmem>>
    %dma_start3A_23 = arith.constant 0 : i32
    %dma_start3A_24 = tpu.memref_slice %arg7[%dma_start3A_19, %dma_start3A_23] : memref<8x128xi32, #tpu.memory_space<vmem>> -> memref<1x128xi32, #tpu.memory_space<vmem>>
    %dma_start3A_25 = tpu.memref_squeeze %dma_start3A_24 : memref<1x128xi32, #tpu.memory_space<vmem>> -> memref<128xi32, #tpu.memory_space<vmem>>
    %dma_start3A_26 = arith.constant 0 : i32
    %dma_start3A_27 = arith.constant 0 : i32
    %dma_start3A_28 = tpu.memref_slice %arg2[%dma_start3A_26, %dma_start3A_27] : memref<1000000x32xf32, #tpu.memory_space<hbm>> -> memref<1000000x32xf32, #tpu.memory_space<hbm>>
    tpu.enqueue_indirect_dma source(%dma_start3A_28 : memref<1000000x32xf32, #tpu.memory_space<hbm>>) target(%dma_start3A_22 : memref<128x32xf32, #tpu.memory_space<vmem>>) offsets(%dma_start3A_25 : memref<128xi32, #tpu.memory_space<vmem>>) semaphore(%arg11 : memref<!tpu.dma_semaphore, #tpu.memory_space<semaphore_mem>>)
    %dma_start3A_29 = arith.constant 2 : i32
    %dma_start3A_30 = arith.constant 256 : i32
    %dma_start3A_31 = arith.constant 0 : i32
    %dma_start3A_32 = tpu.memref_slice %arg9[%dma_start3A_30, %dma_start3A_31] : memref<1024x32xf32, #tpu.memory_space<vmem>> -> memref<128x32xf32, #tpu.memory_space<vmem>>
    %dma_start3A_33 = arith.constant 0 : i32
    %dma_start3A_34 = tpu.memref_slice %arg7[%dma_start3A_29, %dma_start3A_33] : memref<8x128xi32, #tpu.memory_space<vmem>> -> memref<1x128xi32, #tpu.memory_space<vmem>>
    %dma_start3A_35 = tpu.memref_squeeze %dma_start3A_34 : memref<1x128xi32, #tpu.memory_space<vmem>> -> memref<128xi32, #tpu.memory_space<vmem>>
    %dma_start3A_36 = arith.constant 0 : i32
    %dma_start3A_37 = arith.constant 0 : i32
    %dma_start3A_38 = tpu.memref_slice %arg2[%dma_start3A_36, %dma_start3A_37] : memref<1000000x32xf32, #tpu.memory_space<hbm>> -> memref<1000000x32xf32, #tpu.memory_space<hbm>>
    tpu.enqueue_indirect_dma source(%dma_start3A_38 : memref<1000000x32xf32, #tpu.memory_space<hbm>>) target(%dma_start3A_32 : memref<128x32xf32, #tpu.memory_space<vmem>>) offsets(%dma_start3A_35 : memref<128xi32, #tpu.memory_space<vmem>>) semaphore(%arg11 : memref<!tpu.dma_semaphore, #tpu.memory_space<semaphore_mem>>)
    %dma_start3A_39 = arith.constant 3 : i32
    %dma_start3A_40 = arith.constant 384 : i32
    %dma_start3A_41 = arith.constant 0 : i32
    %dma_start3A_42 = tpu.memref_slice %arg9[%dma_start3A_40, %dma_start3A_41] : memref<1024x32xf32, #tpu.memory_space<vmem>> -> memref<128x32xf32, #tpu.memory_space<vmem>>
    %dma_start3A_43 = arith.constant 0 : i32
    %dma_start3A_44 = tpu.memref_slice %arg7[%dma_start3A_39, %dma_start3A_43] : memref<8x128xi32, #tpu.memory_space<vmem>> -> memref<1x128xi32, #tpu.memory_space<vmem>>
    %dma_start3A_45 = tpu.memref_squeeze %dma_start3A_44 : memref<1x128xi32, #tpu.memory_space<vmem>> -> memref<128xi32, #tpu.memory_space<vmem>>
    %dma_start3A_46 = arith.constant 0 : i32
    %dma_start3A_47 = arith.constant 0 : i32
    %dma_start3A_48 = tpu.memref_slice %arg2[%dma_start3A_46, %dma_start3A_47] : memref<1000000x32xf32, #tpu.memory_space<hbm>> -> memref<1000000x32xf32, #tpu.memory_space<hbm>>
    tpu.enqueue_indirect_dma source(%dma_start3A_48 : memref<1000000x32xf32, #tpu.memory_space<hbm>>) target(%dma_start3A_42 : memref<128x32xf32, #tpu.memory_space<vmem>>) offsets(%dma_start3A_45 : memref<128xi32, #tpu.memory_space<vmem>>) semaphore(%arg11 : memref<!tpu.dma_semaphore, #tpu.memory_space<semaphore_mem>>)
    %dma_start3A_49 = arith.constant 4 : i32
    %dma_start3A_50 = arith.constant 512 : i32
    %dma_start3A_51 = arith.constant 0 : i32
    %dma_start3A_52 = tpu.memref_slice %arg9[%dma_start3A_50, %dma_start3A_51] : memref<1024x32xf32, #tpu.memory_space<vmem>> -> memref<128x32xf32, #tpu.memory_space<vmem>>
    %dma_start3A_53 = arith.constant 0 : i32
    %dma_start3A_54 = tpu.memref_slice %arg7[%dma_start3A_49, %dma_start3A_53] : memref<8x128xi32, #tpu.memory_space<vmem>> -> memref<1x128xi32, #tpu.memory_space<vmem>>
    %dma_start3A_55 = tpu.memref_squeeze %dma_start3A_54 : memref<1x128xi32, #tpu.memory_space<vmem>> -> memref<128xi32, #tpu.memory_space<vmem>>
    %dma_start3A_56 = arith.constant 0 : i32
    %dma_start3A_57 = arith.constant 0 : i32
    %dma_start3A_58 = tpu.memref_slice %arg2[%dma_start3A_56, %dma_start3A_57] : memref<1000000x32xf32, #tpu.memory_space<hbm>> -> memref<1000000x32xf32, #tpu.memory_space<hbm>>
    tpu.enqueue_indirect_dma source(%dma_start3A_58 : memref<1000000x32xf32, #tpu.memory_space<hbm>>) target(%dma_start3A_52 : memref<128x32xf32, #tpu.memory_space<vmem>>) offsets(%dma_start3A_55 : memref<128xi32, #tpu.memory_space<vmem>>) semaphore(%arg11 : memref<!tpu.dma_semaphore, #tpu.memory_space<semaphore_mem>>)
    %dma_start3A_59 = arith.constant 5 : i32
    %dma_start3A_60 = arith.constant 640 : i32
    %dma_start3A_61 = arith.constant 0 : i32
    %dma_start3A_62 = tpu.memref_slice %arg9[%dma_start3A_60, %dma_start3A_61] : memref<1024x32xf32, #tpu.memory_space<vmem>> -> memref<128x32xf32, #tpu.memory_space<vmem>>
    %dma_start3A_63 = arith.constant 0 : i32
    %dma_start3A_64 = tpu.memref_slice %arg7[%dma_start3A_59, %dma_start3A_63] : memref<8x128xi32, #tpu.memory_space<vmem>> -> memref<1x128xi32, #tpu.memory_space<vmem>>
    %dma_start3A_65 = tpu.memref_squeeze %dma_start3A_64 : memref<1x128xi32, #tpu.memory_space<vmem>> -> memref<128xi32, #tpu.memory_space<vmem>>
    %dma_start3A_66 = arith.constant 0 : i32
    %dma_start3A_67 = arith.constant 0 : i32
    %dma_start3A_68 = tpu.memref_slice %arg2[%dma_start3A_66, %dma_start3A_67] : memref<1000000x32xf32, #tpu.memory_space<hbm>> -> memref<1000000x32xf32, #tpu.memory_space<hbm>>
    tpu.enqueue_indirect_dma source(%dma_start3A_68 : memref<1000000x32xf32, #tpu.memory_space<hbm>>) target(%dma_start3A_62 : memref<128x32xf32, #tpu.memory_space<vmem>>) offsets(%dma_start3A_65 : memref<128xi32, #tpu.memory_space<vmem>>) semaphore(%arg11 : memref<!tpu.dma_semaphore, #tpu.memory_space<semaphore_mem>>)
    %dma_start3A_69 = arith.constant 6 : i32
    %dma_start3A_70 = arith.constant 768 : i32
    %dma_start3A_71 = arith.constant 0 : i32
    %dma_start3A_72 = tpu.memref_slice %arg9[%dma_start3A_70, %dma_start3A_71] : memref<1024x32xf32, #tpu.memory_space<vmem>> -> memref<128x32xf32, #tpu.memory_space<vmem>>
    %dma_start3A_73 = arith.constant 0 : i32
    %dma_start3A_74 = tpu.memref_slice %arg7[%dma_start3A_69, %dma_start3A_73] : memref<8x128xi32, #tpu.memory_space<vmem>> -> memref<1x128xi32, #tpu.memory_space<vmem>>
    %dma_start3A_75 = tpu.memref_squeeze %dma_start3A_74 : memref<1x128xi32, #tpu.memory_space<vmem>> -> memref<128xi32, #tpu.memory_space<vmem>>
    %dma_start3A_76 = arith.constant 0 : i32
    %dma_start3A_77 = arith.constant 0 : i32
    %dma_start3A_78 = tpu.memref_slice %arg2[%dma_start3A_76, %dma_start3A_77] : memref<1000000x32xf32, #tpu.memory_space<hbm>> -> memref<1000000x32xf32, #tpu.memory_space<hbm>>
    tpu.enqueue_indirect_dma source(%dma_start3A_78 : memref<1000000x32xf32, #tpu.memory_space<hbm>>) target(%dma_start3A_72 : memref<128x32xf32, #tpu.memory_space<vmem>>) offsets(%dma_start3A_75 : memref<128xi32, #tpu.memory_space<vmem>>) semaphore(%arg11 : memref<!tpu.dma_semaphore, #tpu.memory_space<semaphore_mem>>)
    %dma_start3A_79 = arith.constant 7 : i32
    %dma_start3A_80 = arith.constant 896 : i32
    %dma_start3A_81 = arith.constant 0 : i32
    %dma_start3A_82 = tpu.memref_slice %arg9[%dma_start3A_80, %dma_start3A_81] : memref<1024x32xf32, #tpu.memory_space<vmem>> -> memref<128x32xf32, #tpu.memory_space<vmem>>
    %dma_start3A_83 = arith.constant 0 : i32
    %dma_start3A_84 = tpu.memref_slice %arg7[%dma_start3A_79, %dma_start3A_83] : memref<8x128xi32, #tpu.memory_space<vmem>> -> memref<1x128xi32, #tpu.memory_space<vmem>>
    %dma_start3A_85 = tpu.memref_squeeze %dma_start3A_84 : memref<1x128xi32, #tpu.memory_space<vmem>> -> memref<128xi32, #tpu.memory_space<vmem>>
    %dma_start3A_86 = arith.constant 0 : i32
    %dma_start3A_87 = arith.constant 0 : i32
    %dma_start3A_88 = tpu.memref_slice %arg2[%dma_start3A_86, %dma_start3A_87] : memref<1000000x32xf32, #tpu.memory_space<hbm>> -> memref<1000000x32xf32, #tpu.memory_space<hbm>>
    tpu.enqueue_indirect_dma source(%dma_start3A_88 : memref<1000000x32xf32, #tpu.memory_space<hbm>>) target(%dma_start3A_82 : memref<128x32xf32, #tpu.memory_space<vmem>>) offsets(%dma_start3A_85 : memref<128xi32, #tpu.memory_space<vmem>>) semaphore(%arg11 : memref<!tpu.dma_semaphore, #tpu.memory_space<semaphore_mem>>)
    %dma_wait3A = arith.constant 0 : i32
    %dma_wait3A_89 = arith.constant 0 : i32
    %dma_wait3A_90 = arith.constant 0 : i32
    %dma_wait3A_91 = tpu.memref_slice %arg9[%dma_wait3A_89, %dma_wait3A_90] : memref<1024x32xf32, #tpu.memory_space<vmem>> -> memref<128x32xf32, #tpu.memory_space<vmem>>
    %dma_wait3A_92 = arith.constant 0 : i32
    %dma_wait3A_93 = tpu.memref_slice %arg7[%dma_wait3A, %dma_wait3A_92] : memref<8x128xi32, #tpu.memory_space<vmem>> -> memref<1x128xi32, #tpu.memory_space<vmem>>
    %dma_wait3A_94 = tpu.memref_squeeze %dma_wait3A_93 : memref<1x128xi32, #tpu.memory_space<vmem>> -> memref<128xi32, #tpu.memory_space<vmem>>
    %dma_wait3A_95 = arith.constant 0 : i32
    %dma_wait3A_96 = arith.constant 0 : i32
    %dma_wait3A_97 = tpu.memref_slice %arg2[%dma_wait3A_95, %dma_wait3A_96] : memref<1000000x32xf32, #tpu.memory_space<hbm>> -> memref<1000000x32xf32, #tpu.memory_space<hbm>>
    tpu.wait_indirect_dma semaphore(%arg11 : memref<!tpu.dma_semaphore, #tpu.memory_space<semaphore_mem>>) src(%dma_wait3A_97 : memref<1000000x32xf32, #tpu.memory_space<hbm>>) dst(%dma_wait3A_91 : memref<128x32xf32, #tpu.memory_space<vmem>>)
    %dma_wait3A_98 = arith.constant 1 : i32
    %dma_wait3A_99 = arith.constant 128 : i32
    %dma_wait3A_100 = arith.constant 0 : i32
    %dma_wait3A_101 = tpu.memref_slice %arg9[%dma_wait3A_99, %dma_wait3A_100] : memref<1024x32xf32, #tpu.memory_space<vmem>> -> memref<128x32xf32, #tpu.memory_space<vmem>>
    %dma_wait3A_102 = arith.constant 0 : i32
    %dma_wait3A_103 = tpu.memref_slice %arg7[%dma_wait3A_98, %dma_wait3A_102] : memref<8x128xi32, #tpu.memory_space<vmem>> -> memref<1x128xi32, #tpu.memory_space<vmem>>
    %dma_wait3A_104 = tpu.memref_squeeze %dma_wait3A_103 : memref<1x128xi32, #tpu.memory_space<vmem>> -> memref<128xi32, #tpu.memory_space<vmem>>
    %dma_wait3A_105 = arith.constant 0 : i32
    %dma_wait3A_106 = arith.constant 0 : i32
    %dma_wait3A_107 = tpu.memref_slice %arg2[%dma_wait3A_105, %dma_wait3A_106] : memref<1000000x32xf32, #tpu.memory_space<hbm>> -> memref<1000000x32xf32, #tpu.memory_space<hbm>>
    tpu.wait_indirect_dma semaphore(%arg11 : memref<!tpu.dma_semaphore, #tpu.memory_space<semaphore_mem>>) src(%dma_wait3A_107 : memref<1000000x32xf32, #tpu.memory_space<hbm>>) dst(%dma_wait3A_101 : memref<128x32xf32, #tpu.memory_space<vmem>>)
    %dma_wait3A_108 = arith.constant 2 : i32
    %dma_wait3A_109 = arith.constant 256 : i32
    %dma_wait3A_110 = arith.constant 0 : i32
    %dma_wait3A_111 = tpu.memref_slice %arg9[%dma_wait3A_109, %dma_wait3A_110] : memref<1024x32xf32, #tpu.memory_space<vmem>> -> memref<128x32xf32, #tpu.memory_space<vmem>>
    %dma_wait3A_112 = arith.constant 0 : i32
    %dma_wait3A_113 = tpu.memref_slice %arg7[%dma_wait3A_108, %dma_wait3A_112] : memref<8x128xi32, #tpu.memory_space<vmem>> -> memref<1x128xi32, #tpu.memory_space<vmem>>
    %dma_wait3A_114 = tpu.memref_squeeze %dma_wait3A_113 : memref<1x128xi32, #tpu.memory_space<vmem>> -> memref<128xi32, #tpu.memory_space<vmem>>
    %dma_wait3A_115 = arith.constant 0 : i32
    %dma_wait3A_116 = arith.constant 0 : i32
    %dma_wait3A_117 = tpu.memref_slice %arg2[%dma_wait3A_115, %dma_wait3A_116] : memref<1000000x32xf32, #tpu.memory_space<hbm>> -> memref<1000000x32xf32, #tpu.memory_space<hbm>>
    tpu.wait_indirect_dma semaphore(%arg11 : memref<!tpu.dma_semaphore, #tpu.memory_space<semaphore_mem>>) src(%dma_wait3A_117 : memref<1000000x32xf32, #tpu.memory_space<hbm>>) dst(%dma_wait3A_111 : memref<128x32xf32, #tpu.memory_space<vmem>>)
    %dma_wait3A_118 = arith.constant 3 : i32
    %dma_wait3A_119 = arith.constant 384 : i32
    %dma_wait3A_120 = arith.constant 0 : i32
    %dma_wait3A_121 = tpu.memref_slice %arg9[%dma_wait3A_119, %dma_wait3A_120] : memref<1024x32xf32, #tpu.memory_space<vmem>> -> memref<128x32xf32, #tpu.memory_space<vmem>>
    %dma_wait3A_122 = arith.constant 0 : i32
    %dma_wait3A_123 = tpu.memref_slice %arg7[%dma_wait3A_118, %dma_wait3A_122] : memref<8x128xi32, #tpu.memory_space<vmem>> -> memref<1x128xi32, #tpu.memory_space<vmem>>
    %dma_wait3A_124 = tpu.memref_squeeze %dma_wait3A_123 : memref<1x128xi32, #tpu.memory_space<vmem>> -> memref<128xi32, #tpu.memory_space<vmem>>
    %dma_wait3A_125 = arith.constant 0 : i32
    %dma_wait3A_126 = arith.constant 0 : i32
    %dma_wait3A_127 = tpu.memref_slice %arg2[%dma_wait3A_125, %dma_wait3A_126] : memref<1000000x32xf32, #tpu.memory_space<hbm>> -> memref<1000000x32xf32, #tpu.memory_space<hbm>>
    tpu.wait_indirect_dma semaphore(%arg11 : memref<!tpu.dma_semaphore, #tpu.memory_space<semaphore_mem>>) src(%dma_wait3A_127 : memref<1000000x32xf32, #tpu.memory_space<hbm>>) dst(%dma_wait3A_121 : memref<128x32xf32, #tpu.memory_space<vmem>>)
    %dma_wait3A_128 = arith.constant 4 : i32
    %dma_wait3A_129 = arith.constant 512 : i32
    %dma_wait3A_130 = arith.constant 0 : i32
    %dma_wait3A_131 = tpu.memref_slice %arg9[%dma_wait3A_129, %dma_wait3A_130] : memref<1024x32xf32, #tpu.memory_space<vmem>> -> memref<128x32xf32, #tpu.memory_space<vmem>>
    %dma_wait3A_132 = arith.constant 0 : i32
    %dma_wait3A_133 = tpu.memref_slice %arg7[%dma_wait3A_128, %dma_wait3A_132] : memref<8x128xi32, #tpu.memory_space<vmem>> -> memref<1x128xi32, #tpu.memory_space<vmem>>
    %dma_wait3A_134 = tpu.memref_squeeze %dma_wait3A_133 : memref<1x128xi32, #tpu.memory_space<vmem>> -> memref<128xi32, #tpu.memory_space<vmem>>
    %dma_wait3A_135 = arith.constant 0 : i32
    %dma_wait3A_136 = arith.constant 0 : i32
    %dma_wait3A_137 = tpu.memref_slice %arg2[%dma_wait3A_135, %dma_wait3A_136] : memref<1000000x32xf32, #tpu.memory_space<hbm>> -> memref<1000000x32xf32, #tpu.memory_space<hbm>>
    tpu.wait_indirect_dma semaphore(%arg11 : memref<!tpu.dma_semaphore, #tpu.memory_space<semaphore_mem>>) src(%dma_wait3A_137 : memref<1000000x32xf32, #tpu.memory_space<hbm>>) dst(%dma_wait3A_131 : memref<128x32xf32, #tpu.memory_space<vmem>>)
    %dma_wait3A_138 = arith.constant 5 : i32
    %dma_wait3A_139 = arith.constant 640 : i32
    %dma_wait3A_140 = arith.constant 0 : i32
    %dma_wait3A_141 = tpu.memref_slice %arg9[%dma_wait3A_139, %dma_wait3A_140] : memref<1024x32xf32, #tpu.memory_space<vmem>> -> memref<128x32xf32, #tpu.memory_space<vmem>>
    %dma_wait3A_142 = arith.constant 0 : i32
    %dma_wait3A_143 = tpu.memref_slice %arg7[%dma_wait3A_138, %dma_wait3A_142] : memref<8x128xi32, #tpu.memory_space<vmem>> -> memref<1x128xi32, #tpu.memory_space<vmem>>
    %dma_wait3A_144 = tpu.memref_squeeze %dma_wait3A_143 : memref<1x128xi32, #tpu.memory_space<vmem>> -> memref<128xi32, #tpu.memory_space<vmem>>
    %dma_wait3A_145 = arith.constant 0 : i32
    %dma_wait3A_146 = arith.constant 0 : i32
    %dma_wait3A_147 = tpu.memref_slice %arg2[%dma_wait3A_145, %dma_wait3A_146] : memref<1000000x32xf32, #tpu.memory_space<hbm>> -> memref<1000000x32xf32, #tpu.memory_space<hbm>>
    tpu.wait_indirect_dma semaphore(%arg11 : memref<!tpu.dma_semaphore, #tpu.memory_space<semaphore_mem>>) src(%dma_wait3A_147 : memref<1000000x32xf32, #tpu.memory_space<hbm>>) dst(%dma_wait3A_141 : memref<128x32xf32, #tpu.memory_space<vmem>>)
    %dma_wait3A_148 = arith.constant 6 : i32
    %dma_wait3A_149 = arith.constant 768 : i32
    %dma_wait3A_150 = arith.constant 0 : i32
    %dma_wait3A_151 = tpu.memref_slice %arg9[%dma_wait3A_149, %dma_wait3A_150] : memref<1024x32xf32, #tpu.memory_space<vmem>> -> memref<128x32xf32, #tpu.memory_space<vmem>>
    %dma_wait3A_152 = arith.constant 0 : i32
    %dma_wait3A_153 = tpu.memref_slice %arg7[%dma_wait3A_148, %dma_wait3A_152] : memref<8x128xi32, #tpu.memory_space<vmem>> -> memref<1x128xi32, #tpu.memory_space<vmem>>
    %dma_wait3A_154 = tpu.memref_squeeze %dma_wait3A_153 : memref<1x128xi32, #tpu.memory_space<vmem>> -> memref<128xi32, #tpu.memory_space<vmem>>
    %dma_wait3A_155 = arith.constant 0 : i32
    %dma_wait3A_156 = arith.constant 0 : i32
    %dma_wait3A_157 = tpu.memref_slice %arg2[%dma_wait3A_155, %dma_wait3A_156] : memref<1000000x32xf32, #tpu.memory_space<hbm>> -> memref<1000000x32xf32, #tpu.memory_space<hbm>>
    tpu.wait_indirect_dma semaphore(%arg11 : memref<!tpu.dma_semaphore, #tpu.memory_space<semaphore_mem>>) src(%dma_wait3A_157 : memref<1000000x32xf32, #tpu.memory_space<hbm>>) dst(%dma_wait3A_151 : memref<128x32xf32, #tpu.memory_space<vmem>>)
    %dma_wait3A_158 = arith.constant 7 : i32
    %dma_wait3A_159 = arith.constant 896 : i32
    %dma_wait3A_160 = arith.constant 0 : i32
    %dma_wait3A_161 = tpu.memref_slice %arg9[%dma_wait3A_159, %dma_wait3A_160] : memref<1024x32xf32, #tpu.memory_space<vmem>> -> memref<128x32xf32, #tpu.memory_space<vmem>>
    %dma_wait3A_162 = arith.constant 0 : i32
    %dma_wait3A_163 = tpu.memref_slice %arg7[%dma_wait3A_158, %dma_wait3A_162] : memref<8x128xi32, #tpu.memory_space<vmem>> -> memref<1x128xi32, #tpu.memory_space<vmem>>
    %dma_wait3A_164 = tpu.memref_squeeze %dma_wait3A_163 : memref<1x128xi32, #tpu.memory_space<vmem>> -> memref<128xi32, #tpu.memory_space<vmem>>
    %dma_wait3A_165 = arith.constant 0 : i32
    %dma_wait3A_166 = arith.constant 0 : i32
    %dma_wait3A_167 = tpu.memref_slice %arg2[%dma_wait3A_165, %dma_wait3A_166] : memref<1000000x32xf32, #tpu.memory_space<hbm>> -> memref<1000000x32xf32, #tpu.memory_space<hbm>>
    tpu.wait_indirect_dma semaphore(%arg11 : memref<!tpu.dma_semaphore, #tpu.memory_space<semaphore_mem>>) src(%dma_wait3A_167 : memref<1000000x32xf32, #tpu.memory_space<hbm>>) dst(%dma_wait3A_161 : memref<128x32xf32, #tpu.memory_space<vmem>>)
    %mul3A_168 = arith.constant 128 : i32
    %mul3A_169 = arith.muli %add3A_9, %mul3A_168 : i32
    %dma_start3A_170 = arith.constant 0 : i32
    %dma_start3A_171 = tpu.memref_slice %arg5[%mul3A_169, %dma_start3A_170] : memref<819200x32xf32, #tpu.memory_space<hbm>> -> memref<1024x32xf32, #tpu.memory_space<hbm>>
    %dma_start3A_172 = arith.constant 0 : i32
    %dma_start3A_173 = tpu.memref_slice %arg5[%mul3A_169, %dma_start3A_172] : memref<819200x32xf32, #tpu.memory_space<hbm>> -> memref<1024x32xf32, #tpu.memory_space<hbm>>
    tpu.enqueue_dma source(%arg9 : memref<1024x32xf32, #tpu.memory_space<vmem>>) target(%dma_start3A_173 : memref<1024x32xf32, #tpu.memory_space<hbm>>) target_semaphore(%arg12 : memref<!tpu.dma_semaphore, #tpu.memory_space<semaphore_mem>>)
    %dma_wait3A_174 = arith.constant 0 : i32
    %dma_wait3A_175 = tpu.memref_slice %arg5[%mul3A_169, %dma_wait3A_174] : memref<819200x32xf32, #tpu.memory_space<hbm>> -> memref<1024x32xf32, #tpu.memory_space<hbm>>
    %dma_wait3A_176 = arith.constant 0 : i32
    %dma_wait3A_177 = tpu.memref_slice %arg5[%mul3A_169, %dma_wait3A_176] : memref<819200x32xf32, #tpu.memory_space<hbm>> -> memref<1024x32xf32, #tpu.memory_space<hbm>>
    tpu.wait_dma2 semaphore(%arg12 : memref<!tpu.dma_semaphore, #tpu.memory_space<semaphore_mem>>) src(%arg9 : memref<1024x32xf32, #tpu.memory_space<vmem>>) dst(%dma_wait3A_177 : memref<1024x32xf32, #tpu.memory_space<hbm>>)
    %lt3A = arith.constant 16 : i32
    %lt3A_178 = arith.cmpi slt, %add3A, %lt3A : i32
    %convert_element_type3A = arith.extui %lt3A_178 : i1 to i32
    %cond3A = arith.constant 0 : i32
    %cond3A_179 = arith.cmpi ne, %convert_element_type3A, %cond3A : i32
    scf.if %cond3A_179 {
      %mul3A_180 = arith.constant 8 : i32
      %mul3A_181 = arith.muli %add3A, %mul3A_180 : i32
      "tpu.region"() ({
        %run_scoped3A = tpu.sem_alloc : memref<!tpu.dma_semaphore, #tpu.memory_space<semaphore_mem>>
        %dma_start3A_344 = arith.constant 0 : i32
        %dma_start3A_345 = arith.constant 0 : i32
        %dma_start3A_346 = tpu.memref_slice %arg7[%dma_start3A_344, %dma_start3A_345] : memref<8x128xi32, #tpu.memory_space<vmem>> -> memref<8x128xi32, #tpu.memory_space<vmem>>
        %dma_start3A_347 = arith.constant 0 : i32
        %dma_start3A_348 = tpu.memref_slice %arg4[%mul3A_181, %dma_start3A_347] : memref<128x128xi32, #tpu.memory_space<hbm>> -> memref<8x128xi32, #tpu.memory_space<hbm>>
        %dma_start3A_349 = arith.constant 0 : i32
        %dma_start3A_350 = arith.constant 0 : i32
        %dma_start3A_351 = tpu.memref_slice %arg7[%dma_start3A_349, %dma_start3A_350] : memref<8x128xi32, #tpu.memory_space<vmem>> -> memref<8x128xi32, #tpu.memory_space<vmem>>
        %dma_start3A_352 = arith.constant 0 : i32
        %dma_start3A_353 = tpu.memref_slice %arg4[%mul3A_181, %dma_start3A_352] : memref<128x128xi32, #tpu.memory_space<hbm>> -> memref<8x128xi32, #tpu.memory_space<hbm>>
        tpu.enqueue_dma source(%dma_start3A_353 : memref<8x128xi32, #tpu.memory_space<hbm>>) target(%dma_start3A_351 : memref<8x128xi32, #tpu.memory_space<vmem>>) target_semaphore(%run_scoped3A : memref<!tpu.dma_semaphore, #tpu.memory_space<semaphore_mem>>)
        %dma_wait3A_354 = arith.constant 0 : i32
        %dma_wait3A_355 = arith.constant 0 : i32
        %dma_wait3A_356 = tpu.memref_slice %arg7[%dma_wait3A_354, %dma_wait3A_355] : memref<8x128xi32, #tpu.memory_space<vmem>> -> memref<8x128xi32, #tpu.memory_space<vmem>>
        %dma_wait3A_357 = arith.constant 0 : i32
        %dma_wait3A_358 = tpu.memref_slice %arg4[%mul3A_181, %dma_wait3A_357] : memref<128x128xi32, #tpu.memory_space<hbm>> -> memref<8x128xi32, #tpu.memory_space<hbm>>
        %dma_wait3A_359 = arith.constant 0 : i32
        %dma_wait3A_360 = arith.constant 0 : i32
        %dma_wait3A_361 = tpu.memref_slice %arg7[%dma_wait3A_359, %dma_wait3A_360] : memref<8x128xi32, #tpu.memory_space<vmem>> -> memref<8x128xi32, #tpu.memory_space<vmem>>
        %dma_wait3A_362 = arith.constant 0 : i32
        %dma_wait3A_363 = tpu.memref_slice %arg4[%mul3A_181, %dma_wait3A_362] : memref<128x128xi32, #tpu.memory_space<hbm>> -> memref<8x128xi32, #tpu.memory_space<hbm>>
        tpu.wait_dma2 semaphore(%run_scoped3A : memref<!tpu.dma_semaphore, #tpu.memory_space<semaphore_mem>>) src(%dma_wait3A_363 : memref<8x128xi32, #tpu.memory_space<hbm>>) dst(%dma_wait3A_361 : memref<8x128xi32, #tpu.memory_space<vmem>>)
        tpu.yield
      }) : () -> ()
      %dma_start3A_182 = arith.constant 0 : i32
      %dma_start3A_183 = arith.constant 0 : i32
      %dma_start3A_184 = arith.constant 0 : i32
      %dma_start3A_185 = tpu.memref_slice %arg9[%dma_start3A_183, %dma_start3A_184] : memref<1024x32xf32, #tpu.memory_space<vmem>> -> memref<128x32xf32, #tpu.memory_space<vmem>>
      %dma_start3A_186 = arith.constant 0 : i32
      %dma_start3A_187 = tpu.memref_slice %arg7[%dma_start3A_182, %dma_start3A_186] : memref<8x128xi32, #tpu.memory_space<vmem>> -> memref<1x128xi32, #tpu.memory_space<vmem>>
      %dma_start3A_188 = tpu.memref_squeeze %dma_start3A_187 : memref<1x128xi32, #tpu.memory_space<vmem>> -> memref<128xi32, #tpu.memory_space<vmem>>
      %dma_start3A_189 = arith.constant 0 : i32
      %dma_start3A_190 = arith.constant 0 : i32
      %dma_start3A_191 = tpu.memref_slice %arg2[%dma_start3A_189, %dma_start3A_190] : memref<1000000x32xf32, #tpu.memory_space<hbm>> -> memref<1000000x32xf32, #tpu.memory_space<hbm>>
      tpu.enqueue_indirect_dma source(%dma_start3A_191 : memref<1000000x32xf32, #tpu.memory_space<hbm>>) target(%dma_start3A_185 : memref<128x32xf32, #tpu.memory_space<vmem>>) offsets(%dma_start3A_188 : memref<128xi32, #tpu.memory_space<vmem>>) semaphore(%arg11 : memref<!tpu.dma_semaphore, #tpu.memory_space<semaphore_mem>>)
      %dma_start3A_192 = arith.constant 1 : i32
      %dma_start3A_193 = arith.constant 128 : i32
      %dma_start3A_194 = arith.constant 0 : i32
      %dma_start3A_195 = tpu.memref_slice %arg9[%dma_start3A_193, %dma_start3A_194] : memref<1024x32xf32, #tpu.memory_space<vmem>> -> memref<128x32xf32, #tpu.memory_space<vmem>>
      %dma_start3A_196 = arith.constant 0 : i32
      %dma_start3A_197 = tpu.memref_slice %arg7[%dma_start3A_192, %dma_start3A_196] : memref<8x128xi32, #tpu.memory_space<vmem>> -> memref<1x128xi32, #tpu.memory_space<vmem>>
      %dma_start3A_198 = tpu.memref_squeeze %dma_start3A_197 : memref<1x128xi32, #tpu.memory_space<vmem>> -> memref<128xi32, #tpu.memory_space<vmem>>
      %dma_start3A_199 = arith.constant 0 : i32
      %dma_start3A_200 = arith.constant 0 : i32
      %dma_start3A_201 = tpu.memref_slice %arg2[%dma_start3A_199, %dma_start3A_200] : memref<1000000x32xf32, #tpu.memory_space<hbm>> -> memref<1000000x32xf32, #tpu.memory_space<hbm>>
      tpu.enqueue_indirect_dma source(%dma_start3A_201 : memref<1000000x32xf32, #tpu.memory_space<hbm>>) target(%dma_start3A_195 : memref<128x32xf32, #tpu.memory_space<vmem>>) offsets(%dma_start3A_198 : memref<128xi32, #tpu.memory_space<vmem>>) semaphore(%arg11 : memref<!tpu.dma_semaphore, #tpu.memory_space<semaphore_mem>>)
      %dma_start3A_202 = arith.constant 2 : i32
      %dma_start3A_203 = arith.constant 256 : i32
      %dma_start3A_204 = arith.constant 0 : i32
      %dma_start3A_205 = tpu.memref_slice %arg9[%dma_start3A_203, %dma_start3A_204] : memref<1024x32xf32, #tpu.memory_space<vmem>> -> memref<128x32xf32, #tpu.memory_space<vmem>>
      %dma_start3A_206 = arith.constant 0 : i32
      %dma_start3A_207 = tpu.memref_slice %arg7[%dma_start3A_202, %dma_start3A_206] : memref<8x128xi32, #tpu.memory_space<vmem>> -> memref<1x128xi32, #tpu.memory_space<vmem>>
      %dma_start3A_208 = tpu.memref_squeeze %dma_start3A_207 : memref<1x128xi32, #tpu.memory_space<vmem>> -> memref<128xi32, #tpu.memory_space<vmem>>
      %dma_start3A_209 = arith.constant 0 : i32
      %dma_start3A_210 = arith.constant 0 : i32
      %dma_start3A_211 = tpu.memref_slice %arg2[%dma_start3A_209, %dma_start3A_210] : memref<1000000x32xf32, #tpu.memory_space<hbm>> -> memref<1000000x32xf32, #tpu.memory_space<hbm>>
      tpu.enqueue_indirect_dma source(%dma_start3A_211 : memref<1000000x32xf32, #tpu.memory_space<hbm>>) target(%dma_start3A_205 : memref<128x32xf32, #tpu.memory_space<vmem>>) offsets(%dma_start3A_208 : memref<128xi32, #tpu.memory_space<vmem>>) semaphore(%arg11 : memref<!tpu.dma_semaphore, #tpu.memory_space<semaphore_mem>>)
      %dma_start3A_212 = arith.constant 3 : i32
      %dma_start3A_213 = arith.constant 384 : i32
      %dma_start3A_214 = arith.constant 0 : i32
      %dma_start3A_215 = tpu.memref_slice %arg9[%dma_start3A_213, %dma_start3A_214] : memref<1024x32xf32, #tpu.memory_space<vmem>> -> memref<128x32xf32, #tpu.memory_space<vmem>>
      %dma_start3A_216 = arith.constant 0 : i32
      %dma_start3A_217 = tpu.memref_slice %arg7[%dma_start3A_212, %dma_start3A_216] : memref<8x128xi32, #tpu.memory_space<vmem>> -> memref<1x128xi32, #tpu.memory_space<vmem>>
      %dma_start3A_218 = tpu.memref_squeeze %dma_start3A_217 : memref<1x128xi32, #tpu.memory_space<vmem>> -> memref<128xi32, #tpu.memory_space<vmem>>
      %dma_start3A_219 = arith.constant 0 : i32
      %dma_start3A_220 = arith.constant 0 : i32
      %dma_start3A_221 = tpu.memref_slice %arg2[%dma_start3A_219, %dma_start3A_220] : memref<1000000x32xf32, #tpu.memory_space<hbm>> -> memref<1000000x32xf32, #tpu.memory_space<hbm>>
      tpu.enqueue_indirect_dma source(%dma_start3A_221 : memref<1000000x32xf32, #tpu.memory_space<hbm>>) target(%dma_start3A_215 : memref<128x32xf32, #tpu.memory_space<vmem>>) offsets(%dma_start3A_218 : memref<128xi32, #tpu.memory_space<vmem>>) semaphore(%arg11 : memref<!tpu.dma_semaphore, #tpu.memory_space<semaphore_mem>>)
      %dma_start3A_222 = arith.constant 4 : i32
      %dma_start3A_223 = arith.constant 512 : i32
      %dma_start3A_224 = arith.constant 0 : i32
      %dma_start3A_225 = tpu.memref_slice %arg9[%dma_start3A_223, %dma_start3A_224] : memref<1024x32xf32, #tpu.memory_space<vmem>> -> memref<128x32xf32, #tpu.memory_space<vmem>>
      %dma_start3A_226 = arith.constant 0 : i32
      %dma_start3A_227 = tpu.memref_slice %arg7[%dma_start3A_222, %dma_start3A_226] : memref<8x128xi32, #tpu.memory_space<vmem>> -> memref<1x128xi32, #tpu.memory_space<vmem>>
      %dma_start3A_228 = tpu.memref_squeeze %dma_start3A_227 : memref<1x128xi32, #tpu.memory_space<vmem>> -> memref<128xi32, #tpu.memory_space<vmem>>
      %dma_start3A_229 = arith.constant 0 : i32
      %dma_start3A_230 = arith.constant 0 : i32
      %dma_start3A_231 = tpu.memref_slice %arg2[%dma_start3A_229, %dma_start3A_230] : memref<1000000x32xf32, #tpu.memory_space<hbm>> -> memref<1000000x32xf32, #tpu.memory_space<hbm>>
      tpu.enqueue_indirect_dma source(%dma_start3A_231 : memref<1000000x32xf32, #tpu.memory_space<hbm>>) target(%dma_start3A_225 : memref<128x32xf32, #tpu.memory_space<vmem>>) offsets(%dma_start3A_228 : memref<128xi32, #tpu.memory_space<vmem>>) semaphore(%arg11 : memref<!tpu.dma_semaphore, #tpu.memory_space<semaphore_mem>>)
      %dma_start3A_232 = arith.constant 5 : i32
      %dma_start3A_233 = arith.constant 640 : i32
      %dma_start3A_234 = arith.constant 0 : i32
      %dma_start3A_235 = tpu.memref_slice %arg9[%dma_start3A_233, %dma_start3A_234] : memref<1024x32xf32, #tpu.memory_space<vmem>> -> memref<128x32xf32, #tpu.memory_space<vmem>>
      %dma_start3A_236 = arith.constant 0 : i32
      %dma_start3A_237 = tpu.memref_slice %arg7[%dma_start3A_232, %dma_start3A_236] : memref<8x128xi32, #tpu.memory_space<vmem>> -> memref<1x128xi32, #tpu.memory_space<vmem>>
      %dma_start3A_238 = tpu.memref_squeeze %dma_start3A_237 : memref<1x128xi32, #tpu.memory_space<vmem>> -> memref<128xi32, #tpu.memory_space<vmem>>
      %dma_start3A_239 = arith.constant 0 : i32
      %dma_start3A_240 = arith.constant 0 : i32
      %dma_start3A_241 = tpu.memref_slice %arg2[%dma_start3A_239, %dma_start3A_240] : memref<1000000x32xf32, #tpu.memory_space<hbm>> -> memref<1000000x32xf32, #tpu.memory_space<hbm>>
      tpu.enqueue_indirect_dma source(%dma_start3A_241 : memref<1000000x32xf32, #tpu.memory_space<hbm>>) target(%dma_start3A_235 : memref<128x32xf32, #tpu.memory_space<vmem>>) offsets(%dma_start3A_238 : memref<128xi32, #tpu.memory_space<vmem>>) semaphore(%arg11 : memref<!tpu.dma_semaphore, #tpu.memory_space<semaphore_mem>>)
      %dma_start3A_242 = arith.constant 6 : i32
      %dma_start3A_243 = arith.constant 768 : i32
      %dma_start3A_244 = arith.constant 0 : i32
      %dma_start3A_245 = tpu.memref_slice %arg9[%dma_start3A_243, %dma_start3A_244] : memref<1024x32xf32, #tpu.memory_space<vmem>> -> memref<128x32xf32, #tpu.memory_space<vmem>>
      %dma_start3A_246 = arith.constant 0 : i32
      %dma_start3A_247 = tpu.memref_slice %arg7[%dma_start3A_242, %dma_start3A_246] : memref<8x128xi32, #tpu.memory_space<vmem>> -> memref<1x128xi32, #tpu.memory_space<vmem>>
      %dma_start3A_248 = tpu.memref_squeeze %dma_start3A_247 : memref<1x128xi32, #tpu.memory_space<vmem>> -> memref<128xi32, #tpu.memory_space<vmem>>
      %dma_start3A_249 = arith.constant 0 : i32
      %dma_start3A_250 = arith.constant 0 : i32
      %dma_start3A_251 = tpu.memref_slice %arg2[%dma_start3A_249, %dma_start3A_250] : memref<1000000x32xf32, #tpu.memory_space<hbm>> -> memref<1000000x32xf32, #tpu.memory_space<hbm>>
      tpu.enqueue_indirect_dma source(%dma_start3A_251 : memref<1000000x32xf32, #tpu.memory_space<hbm>>) target(%dma_start3A_245 : memref<128x32xf32, #tpu.memory_space<vmem>>) offsets(%dma_start3A_248 : memref<128xi32, #tpu.memory_space<vmem>>) semaphore(%arg11 : memref<!tpu.dma_semaphore, #tpu.memory_space<semaphore_mem>>)
      %dma_start3A_252 = arith.constant 7 : i32
      %dma_start3A_253 = arith.constant 896 : i32
      %dma_start3A_254 = arith.constant 0 : i32
      %dma_start3A_255 = tpu.memref_slice %arg9[%dma_start3A_253, %dma_start3A_254] : memref<1024x32xf32, #tpu.memory_space<vmem>> -> memref<128x32xf32, #tpu.memory_space<vmem>>
      %dma_start3A_256 = arith.constant 0 : i32
      %dma_start3A_257 = tpu.memref_slice %arg7[%dma_start3A_252, %dma_start3A_256] : memref<8x128xi32, #tpu.memory_space<vmem>> -> memref<1x128xi32, #tpu.memory_space<vmem>>
      %dma_start3A_258 = tpu.memref_squeeze %dma_start3A_257 : memref<1x128xi32, #tpu.memory_space<vmem>> -> memref<128xi32, #tpu.memory_space<vmem>>
      %dma_start3A_259 = arith.constant 0 : i32
      %dma_start3A_260 = arith.constant 0 : i32
      %dma_start3A_261 = tpu.memref_slice %arg2[%dma_start3A_259, %dma_start3A_260] : memref<1000000x32xf32, #tpu.memory_space<hbm>> -> memref<1000000x32xf32, #tpu.memory_space<hbm>>
      tpu.enqueue_indirect_dma source(%dma_start3A_261 : memref<1000000x32xf32, #tpu.memory_space<hbm>>) target(%dma_start3A_255 : memref<128x32xf32, #tpu.memory_space<vmem>>) offsets(%dma_start3A_258 : memref<128xi32, #tpu.memory_space<vmem>>) semaphore(%arg11 : memref<!tpu.dma_semaphore, #tpu.memory_space<semaphore_mem>>)
      %dma_wait3A_262 = arith.constant 0 : i32
      %dma_wait3A_263 = arith.constant 0 : i32
      %dma_wait3A_264 = arith.constant 0 : i32
      %dma_wait3A_265 = tpu.memref_slice %arg9[%dma_wait3A_263, %dma_wait3A_264] : memref<1024x32xf32, #tpu.memory_space<vmem>> -> memref<128x32xf32, #tpu.memory_space<vmem>>
      %dma_wait3A_266 = arith.constant 0 : i32
      %dma_wait3A_267 = tpu.memref_slice %arg7[%dma_wait3A_262, %dma_wait3A_266] : memref<8x128xi32, #tpu.memory_space<vmem>> -> memref<1x128xi32, #tpu.memory_space<vmem>>
      %dma_wait3A_268 = tpu.memref_squeeze %dma_wait3A_267 : memref<1x128xi32, #tpu.memory_space<vmem>> -> memref<128xi32, #tpu.memory_space<vmem>>
      %dma_wait3A_269 = arith.constant 0 : i32
      %dma_wait3A_270 = arith.constant 0 : i32
      %dma_wait3A_271 = tpu.memref_slice %arg2[%dma_wait3A_269, %dma_wait3A_270] : memref<1000000x32xf32, #tpu.memory_space<hbm>> -> memref<1000000x32xf32, #tpu.memory_space<hbm>>
      tpu.wait_indirect_dma semaphore(%arg11 : memref<!tpu.dma_semaphore, #tpu.memory_space<semaphore_mem>>) src(%dma_wait3A_271 : memref<1000000x32xf32, #tpu.memory_space<hbm>>) dst(%dma_wait3A_265 : memref<128x32xf32, #tpu.memory_space<vmem>>)
      %dma_wait3A_272 = arith.constant 1 : i32
      %dma_wait3A_273 = arith.constant 128 : i32
      %dma_wait3A_274 = arith.constant 0 : i32
      %dma_wait3A_275 = tpu.memref_slice %arg9[%dma_wait3A_273, %dma_wait3A_274] : memref<1024x32xf32, #tpu.memory_space<vmem>> -> memref<128x32xf32, #tpu.memory_space<vmem>>
      %dma_wait3A_276 = arith.constant 0 : i32
      %dma_wait3A_277 = tpu.memref_slice %arg7[%dma_wait3A_272, %dma_wait3A_276] : memref<8x128xi32, #tpu.memory_space<vmem>> -> memref<1x128xi32, #tpu.memory_space<vmem>>
      %dma_wait3A_278 = tpu.memref_squeeze %dma_wait3A_277 : memref<1x128xi32, #tpu.memory_space<vmem>> -> memref<128xi32, #tpu.memory_space<vmem>>
      %dma_wait3A_279 = arith.constant 0 : i32
      %dma_wait3A_280 = arith.constant 0 : i32
      %dma_wait3A_281 = tpu.memref_slice %arg2[%dma_wait3A_279, %dma_wait3A_280] : memref<1000000x32xf32, #tpu.memory_space<hbm>> -> memref<1000000x32xf32, #tpu.memory_space<hbm>>
      tpu.wait_indirect_dma semaphore(%arg11 : memref<!tpu.dma_semaphore, #tpu.memory_space<semaphore_mem>>) src(%dma_wait3A_281 : memref<1000000x32xf32, #tpu.memory_space<hbm>>) dst(%dma_wait3A_275 : memref<128x32xf32, #tpu.memory_space<vmem>>)
      %dma_wait3A_282 = arith.constant 2 : i32
      %dma_wait3A_283 = arith.constant 256 : i32
      %dma_wait3A_284 = arith.constant 0 : i32
      %dma_wait3A_285 = tpu.memref_slice %arg9[%dma_wait3A_283, %dma_wait3A_284] : memref<1024x32xf32, #tpu.memory_space<vmem>> -> memref<128x32xf32, #tpu.memory_space<vmem>>
      %dma_wait3A_286 = arith.constant 0 : i32
      %dma_wait3A_287 = tpu.memref_slice %arg7[%dma_wait3A_282, %dma_wait3A_286] : memref<8x128xi32, #tpu.memory_space<vmem>> -> memref<1x128xi32, #tpu.memory_space<vmem>>
      %dma_wait3A_288 = tpu.memref_squeeze %dma_wait3A_287 : memref<1x128xi32, #tpu.memory_space<vmem>> -> memref<128xi32, #tpu.memory_space<vmem>>
      %dma_wait3A_289 = arith.constant 0 : i32
      %dma_wait3A_290 = arith.constant 0 : i32
      %dma_wait3A_291 = tpu.memref_slice %arg2[%dma_wait3A_289, %dma_wait3A_290] : memref<1000000x32xf32, #tpu.memory_space<hbm>> -> memref<1000000x32xf32, #tpu.memory_space<hbm>>
      tpu.wait_indirect_dma semaphore(%arg11 : memref<!tpu.dma_semaphore, #tpu.memory_space<semaphore_mem>>) src(%dma_wait3A_291 : memref<1000000x32xf32, #tpu.memory_space<hbm>>) dst(%dma_wait3A_285 : memref<128x32xf32, #tpu.memory_space<vmem>>)
      %dma_wait3A_292 = arith.constant 3 : i32
      %dma_wait3A_293 = arith.constant 384 : i32
      %dma_wait3A_294 = arith.constant 0 : i32
      %dma_wait3A_295 = tpu.memref_slice %arg9[%dma_wait3A_293, %dma_wait3A_294] : memref<1024x32xf32, #tpu.memory_space<vmem>> -> memref<128x32xf32, #tpu.memory_space<vmem>>
      %dma_wait3A_296 = arith.constant 0 : i32
      %dma_wait3A_297 = tpu.memref_slice %arg7[%dma_wait3A_292, %dma_wait3A_296] : memref<8x128xi32, #tpu.memory_space<vmem>> -> memref<1x128xi32, #tpu.memory_space<vmem>>
      %dma_wait3A_298 = tpu.memref_squeeze %dma_wait3A_297 : memref<1x128xi32, #tpu.memory_space<vmem>> -> memref<128xi32, #tpu.memory_space<vmem>>
      %dma_wait3A_299 = arith.constant 0 : i32
      %dma_wait3A_300 = arith.constant 0 : i32
      %dma_wait3A_301 = tpu.memref_slice %arg2[%dma_wait3A_299, %dma_wait3A_300] : memref<1000000x32xf32, #tpu.memory_space<hbm>> -> memref<1000000x32xf32, #tpu.memory_space<hbm>>
      tpu.wait_indirect_dma semaphore(%arg11 : memref<!tpu.dma_semaphore, #tpu.memory_space<semaphore_mem>>) src(%dma_wait3A_301 : memref<1000000x32xf32, #tpu.memory_space<hbm>>) dst(%dma_wait3A_295 : memref<128x32xf32, #tpu.memory_space<vmem>>)
      %dma_wait3A_302 = arith.constant 4 : i32
      %dma_wait3A_303 = arith.constant 512 : i32
      %dma_wait3A_304 = arith.constant 0 : i32
      %dma_wait3A_305 = tpu.memref_slice %arg9[%dma_wait3A_303, %dma_wait3A_304] : memref<1024x32xf32, #tpu.memory_space<vmem>> -> memref<128x32xf32, #tpu.memory_space<vmem>>
      %dma_wait3A_306 = arith.constant 0 : i32
      %dma_wait3A_307 = tpu.memref_slice %arg7[%dma_wait3A_302, %dma_wait3A_306] : memref<8x128xi32, #tpu.memory_space<vmem>> -> memref<1x128xi32, #tpu.memory_space<vmem>>
      %dma_wait3A_308 = tpu.memref_squeeze %dma_wait3A_307 : memref<1x128xi32, #tpu.memory_space<vmem>> -> memref<128xi32, #tpu.memory_space<vmem>>
      %dma_wait3A_309 = arith.constant 0 : i32
      %dma_wait3A_310 = arith.constant 0 : i32
      %dma_wait3A_311 = tpu.memref_slice %arg2[%dma_wait3A_309, %dma_wait3A_310] : memref<1000000x32xf32, #tpu.memory_space<hbm>> -> memref<1000000x32xf32, #tpu.memory_space<hbm>>
      tpu.wait_indirect_dma semaphore(%arg11 : memref<!tpu.dma_semaphore, #tpu.memory_space<semaphore_mem>>) src(%dma_wait3A_311 : memref<1000000x32xf32, #tpu.memory_space<hbm>>) dst(%dma_wait3A_305 : memref<128x32xf32, #tpu.memory_space<vmem>>)
      %dma_wait3A_312 = arith.constant 5 : i32
      %dma_wait3A_313 = arith.constant 640 : i32
      %dma_wait3A_314 = arith.constant 0 : i32
      %dma_wait3A_315 = tpu.memref_slice %arg9[%dma_wait3A_313, %dma_wait3A_314] : memref<1024x32xf32, #tpu.memory_space<vmem>> -> memref<128x32xf32, #tpu.memory_space<vmem>>
      %dma_wait3A_316 = arith.constant 0 : i32
      %dma_wait3A_317 = tpu.memref_slice %arg7[%dma_wait3A_312, %dma_wait3A_316] : memref<8x128xi32, #tpu.memory_space<vmem>> -> memref<1x128xi32, #tpu.memory_space<vmem>>
      %dma_wait3A_318 = tpu.memref_squeeze %dma_wait3A_317 : memref<1x128xi32, #tpu.memory_space<vmem>> -> memref<128xi32, #tpu.memory_space<vmem>>
      %dma_wait3A_319 = arith.constant 0 : i32
      %dma_wait3A_320 = arith.constant 0 : i32
      %dma_wait3A_321 = tpu.memref_slice %arg2[%dma_wait3A_319, %dma_wait3A_320] : memref<1000000x32xf32, #tpu.memory_space<hbm>> -> memref<1000000x32xf32, #tpu.memory_space<hbm>>
      tpu.wait_indirect_dma semaphore(%arg11 : memref<!tpu.dma_semaphore, #tpu.memory_space<semaphore_mem>>) src(%dma_wait3A_321 : memref<1000000x32xf32, #tpu.memory_space<hbm>>) dst(%dma_wait3A_315 : memref<128x32xf32, #tpu.memory_space<vmem>>)
      %dma_wait3A_322 = arith.constant 6 : i32
      %dma_wait3A_323 = arith.constant 768 : i32
      %dma_wait3A_324 = arith.constant 0 : i32
      %dma_wait3A_325 = tpu.memref_slice %arg9[%dma_wait3A_323, %dma_wait3A_324] : memref<1024x32xf32, #tpu.memory_space<vmem>> -> memref<128x32xf32, #tpu.memory_space<vmem>>
      %dma_wait3A_326 = arith.constant 0 : i32
      %dma_wait3A_327 = tpu.memref_slice %arg7[%dma_wait3A_322, %dma_wait3A_326] : memref<8x128xi32, #tpu.memory_space<vmem>> -> memref<1x128xi32, #tpu.memory_space<vmem>>
      %dma_wait3A_328 = tpu.memref_squeeze %dma_wait3A_327 : memref<1x128xi32, #tpu.memory_space<vmem>> -> memref<128xi32, #tpu.memory_space<vmem>>
      %dma_wait3A_329 = arith.constant 0 : i32
      %dma_wait3A_330 = arith.constant 0 : i32
      %dma_wait3A_331 = tpu.memref_slice %arg2[%dma_wait3A_329, %dma_wait3A_330] : memref<1000000x32xf32, #tpu.memory_space<hbm>> -> memref<1000000x32xf32, #tpu.memory_space<hbm>>
      tpu.wait_indirect_dma semaphore(%arg11 : memref<!tpu.dma_semaphore, #tpu.memory_space<semaphore_mem>>) src(%dma_wait3A_331 : memref<1000000x32xf32, #tpu.memory_space<hbm>>) dst(%dma_wait3A_325 : memref<128x32xf32, #tpu.memory_space<vmem>>)
      %dma_wait3A_332 = arith.constant 7 : i32
      %dma_wait3A_333 = arith.constant 896 : i32
      %dma_wait3A_334 = arith.constant 0 : i32
      %dma_wait3A_335 = tpu.memref_slice %arg9[%dma_wait3A_333, %dma_wait3A_334] : memref<1024x32xf32, #tpu.memory_space<vmem>> -> memref<128x32xf32, #tpu.memory_space<vmem>>
      %dma_wait3A_336 = arith.constant 0 : i32
      %dma_wait3A_337 = tpu.memref_slice %arg7[%dma_wait3A_332, %dma_wait3A_336] : memref<8x128xi32, #tpu.memory_space<vmem>> -> memref<1x128xi32, #tpu.memory_space<vmem>>
      %dma_wait3A_338 = tpu.memref_squeeze %dma_wait3A_337 : memref<1x128xi32, #tpu.memory_space<vmem>> -> memref<128xi32, #tpu.memory_space<vmem>>
      %dma_wait3A_339 = arith.constant 0 : i32
      %dma_wait3A_340 = arith.constant 0 : i32
      %dma_wait3A_341 = tpu.memref_slice %arg2[%dma_wait3A_339, %dma_wait3A_340] : memref<1000000x32xf32, #tpu.memory_space<hbm>> -> memref<1000000x32xf32, #tpu.memory_space<hbm>>
      tpu.wait_indirect_dma semaphore(%arg11 : memref<!tpu.dma_semaphore, #tpu.memory_space<semaphore_mem>>) src(%dma_wait3A_341 : memref<1000000x32xf32, #tpu.memory_space<hbm>>) dst(%dma_wait3A_335 : memref<128x32xf32, #tpu.memory_space<vmem>>)
      %mul3A_342 = arith.constant 128 : i32
      %mul3A_343 = arith.muli %mul3A_181, %mul3A_342 : i32
      "tpu.region"() ({
        %run_scoped3A = tpu.sem_alloc : memref<!tpu.dma_semaphore, #tpu.memory_space<semaphore_mem>>
        %dma_start3A_344 = arith.constant 0 : i32
        %dma_start3A_345 = arith.constant 0 : i32
        %dma_start3A_346 = tpu.memref_slice %arg9[%dma_start3A_344, %dma_start3A_345] : memref<1024x32xf32, #tpu.memory_space<vmem>> -> memref<1024x32xf32, #tpu.memory_space<vmem>>
        %dma_start3A_347 = arith.constant 0 : i32
        %dma_start3A_348 = tpu.memref_slice %arg6[%mul3A_343, %dma_start3A_347] : memref<16384x32xf32, #tpu.memory_space<hbm>> -> memref<1024x32xf32, #tpu.memory_space<hbm>>
        %dma_start3A_349 = arith.constant 0 : i32
        %dma_start3A_350 = tpu.memref_slice %arg6[%mul3A_343, %dma_start3A_349] : memref<16384x32xf32, #tpu.memory_space<hbm>> -> memref<1024x32xf32, #tpu.memory_space<hbm>>
        %dma_start3A_351 = arith.constant 0 : i32
        %dma_start3A_352 = arith.constant 0 : i32
        %dma_start3A_353 = tpu.memref_slice %arg9[%dma_start3A_351, %dma_start3A_352] : memref<1024x32xf32, #tpu.memory_space<vmem>> -> memref<1024x32xf32, #tpu.memory_space<vmem>>
        tpu.enqueue_dma source(%dma_start3A_353 : memref<1024x32xf32, #tpu.memory_space<vmem>>) target(%dma_start3A_350 : memref<1024x32xf32, #tpu.memory_space<hbm>>) target_semaphore(%run_scoped3A : memref<!tpu.dma_semaphore, #tpu.memory_space<semaphore_mem>>)
        %dma_wait3A_354 = arith.constant 0 : i32
        %dma_wait3A_355 = arith.constant 0 : i32
        %dma_wait3A_356 = tpu.memref_slice %arg9[%dma_wait3A_354, %dma_wait3A_355] : memref<1024x32xf32, #tpu.memory_space<vmem>> -> memref<1024x32xf32, #tpu.memory_space<vmem>>
        %dma_wait3A_357 = arith.constant 0 : i32
        %dma_wait3A_358 = tpu.memref_slice %arg6[%mul3A_343, %dma_wait3A_357] : memref<16384x32xf32, #tpu.memory_space<hbm>> -> memref<1024x32xf32, #tpu.memory_space<hbm>>
        %dma_wait3A_359 = arith.constant 0 : i32
        %dma_wait3A_360 = tpu.memref_slice %arg6[%mul3A_343, %dma_wait3A_359] : memref<16384x32xf32, #tpu.memory_space<hbm>> -> memref<1024x32xf32, #tpu.memory_space<hbm>>
        %dma_wait3A_361 = arith.constant 0 : i32
        %dma_wait3A_362 = arith.constant 0 : i32
        %dma_wait3A_363 = tpu.memref_slice %arg9[%dma_wait3A_361, %dma_wait3A_362] : memref<1024x32xf32, #tpu.memory_space<vmem>> -> memref<1024x32xf32, #tpu.memory_space<vmem>>
        tpu.wait_dma2 semaphore(%run_scoped3A : memref<!tpu.dma_semaphore, #tpu.memory_space<semaphore_mem>>) src(%dma_wait3A_363 : memref<1024x32xf32, #tpu.memory_space<vmem>>) dst(%dma_wait3A_360 : memref<1024x32xf32, #tpu.memory_space<hbm>>)
        tpu.yield
      }) : () -> ()
    } else {
    }
    return
  }
}

module attributes {stable_mosaic.version = 14 : i64} {
  func.func @_tc_body(%arg0: i32, %arg1: memref<4096x128xf32, #tpu.memory_space<vmem>>, %arg2: memref<4x32x4096xbf16, #tpu.memory_space<vmem>>, %arg3: memref<4096x128xf32, #tpu.memory_space<vmem>>, %arg4: memref<128x128xf32, #tpu.memory_space<vmem>>, %arg5: memref<32x32xf32, #tpu.memory_space<vmem>>, %arg6: memref<32x32xf32, #tpu.memory_space<vmem>>, %arg7: memref<128x128xf32, #tpu.memory_space<vmem>>, %arg8: memref<128x128xf32, #tpu.memory_space<vmem>>, %arg9: memref<128x128xf32, #tpu.memory_space<vmem>>, %arg10: memref<128x128xf32, #tpu.memory_space<vmem>>, %arg11: memref<4x128xf32, #tpu.memory_space<vmem>>, %arg12: memref<128x4xf32, #tpu.memory_space<vmem>>, %arg13: memref<128x1xf32, #tpu.memory_space<vmem>>, %arg14: memref<128x1xf32, #tpu.memory_space<vmem>>, %arg15: memref<128x1xf32, #tpu.memory_space<vmem>>, %arg16: memref<4096x128xf32, #tpu.memory_space<vmem>>, %arg17: memref<128x4096xf32, #tpu.memory_space<vmem>>, %arg18: memref<4x4096xf32, #tpu.memory_space<vmem>>, %arg19: memref<4x4096xf32, #tpu.memory_space<vmem>>) attributes {dimension_semantics = [#tpu.dimension_semantics<arbitrary>], iteration_bounds = array<i64: 50>, scalar_prefetch = 0 : i64, scratch_operands = 3 : i64, tpu.core_type = #tpu.core_type<tc>, window_params = [{transform_indices = @transform_0, window_bounds = array<i64: 4096, 128>}, {transform_indices = @transform_1, window_bounds = array<i64: 4, 32, 4096>}, {pipeline_mode = #tpu.pipeline_mode<synchronous>, transform_indices = @transform_2, window_bounds = array<i64: 4096, 128>}, {pipeline_mode = #tpu.pipeline_mode<synchronous>, transform_indices = @transform_3, window_bounds = array<i64: 128, 128>}, {pipeline_mode = #tpu.pipeline_mode<synchronous>, transform_indices = @transform_4, window_bounds = array<i64: 32, 32>}, {pipeline_mode = #tpu.pipeline_mode<synchronous>, transform_indices = @transform_5, window_bounds = array<i64: 32, 32>}, {pipeline_mode = #tpu.pipeline_mode<synchronous>, transform_indices = @transform_6, window_bounds = array<i64: 128, 128>}, {pipeline_mode = #tpu.pipeline_mode<synchronous>, transform_indices = @transform_7, window_bounds = array<i64: 128, 128>}, {pipeline_mode = #tpu.pipeline_mode<synchronous>, transform_indices = @transform_8, window_bounds = array<i64: 128, 128>}, {pipeline_mode = #tpu.pipeline_mode<synchronous>, transform_indices = @transform_9, window_bounds = array<i64: 128, 128>}, {pipeline_mode = #tpu.pipeline_mode<synchronous>, transform_indices = @transform_10, window_bounds = array<i64: 4, 128>}, {pipeline_mode = #tpu.pipeline_mode<synchronous>, transform_indices = @transform_11, window_bounds = array<i64: 128, 4>}, {pipeline_mode = #tpu.pipeline_mode<synchronous>, transform_indices = @transform_12, window_bounds = array<i64: 128, 1>}, {pipeline_mode = #tpu.pipeline_mode<synchronous>, transform_indices = @transform_13, window_bounds = array<i64: 128, 1>}, {pipeline_mode = #tpu.pipeline_mode<synchronous>, transform_indices = @transform_14, window_bounds = array<i64: 128, 1>}, {pipeline_mode = #tpu.pipeline_mode<synchronous>, transform_indices = @transform_15, window_bounds = array<i64: 4096, 128>}]} {
    %get3A = arith.constant 0 : index
    %get3A_0 = arith.constant 0 : index
    %get3A_1 = vector.load %arg1[%get3A, %get3A_0] : memref<4096x128xf32, #tpu.memory_space<vmem>>, vector<4096x128xf32>
    %get3A_2 = arith.constant 0 : index
    %get3A_3 = arith.constant 0 : index
    %get3A_4 = vector.load %arg3[%get3A_2, %get3A_3] : memref<4096x128xf32, #tpu.memory_space<vmem>>, vector<4096x128xf32>
    %get3A_5 = arith.constant 0 : index
    %get3A_6 = arith.constant 0 : index
    %get3A_7 = arith.constant 0 : index
    %get3A_8 = vector.load %arg2[%get3A_5, %get3A_6, %get3A_7] : memref<4x32x4096xbf16, #tpu.memory_space<vmem>>, vector<4x32x4096xbf16>
    %get3A_9 = arith.constant 0 : index
    %get3A_10 = arith.constant 0 : index
    %get3A_11 = vector.load %arg5[%get3A_9, %get3A_10] : memref<32x32xf32, #tpu.memory_space<vmem>>, vector<32x32xf32>
    %get3A_12 = arith.constant 0 : index
    %get3A_13 = arith.constant 0 : index
    %get3A_14 = vector.load %arg6[%get3A_12, %get3A_13] : memref<32x32xf32, #tpu.memory_space<vmem>>, vector<32x32xf32>
    %dot_general3A = arith.constant dense<0.000000e+00> : vector<32x32xf32>
    %dot_general3A_15 = tpu.matmul %get3A_11, %get3A_14, %dot_general3A {dimension_numbers = #tpu.dot_dimension_numbers<[1], [1], [0], [0], [0, 0, 1, 0], [], []>, transpose_lhs_hint = false} : vector<32x32xf32>, vector<32x32xf32>, vector<32x32xf32> -> vector<32x32xf32>
    %convert_element_type3A = arith.truncf %dot_general3A_15 : vector<32x32xf32> to vector<32x32xbf16>
    %broadcast_in_dim3A = vector.shape_cast %convert_element_type3A : vector<32x32xbf16> to vector<1x32x32xbf16>
    %broadcast_in_dim3A_16 = vector.shape_cast %broadcast_in_dim3A : vector<1x32x32xbf16> to vector<1x32x32xbf16>
    %broadcast_in_dim3A_17 = vector.broadcast %broadcast_in_dim3A_16 : vector<1x32x32xbf16> to vector<4x32x32xbf16>
    %dot_general3A_18 = arith.constant dense<0.000000e+00> : vector<4x32x4096xf32>
    %dot_general3A_19 = tpu.matmul %broadcast_in_dim3A_17, %get3A_8, %dot_general3A_18 {dimension_numbers = #tpu.dot_dimension_numbers<[2], [1], [1], [2], [0, 0, 0, 1, 1, 2], [0], [0]>, transpose_lhs_hint = false} : vector<4x32x32xbf16>, vector<4x32x4096xbf16>, vector<4x32x4096xf32> -> vector<4x32x4096xf32>
    %get3A_20 = arith.constant 0 : index
    %get3A_21 = arith.constant 0 : index
    %get3A_22 = vector.load %arg4[%get3A_20, %get3A_21] : memref<128x128xf32, #tpu.memory_space<vmem>>, vector<128x128xf32>
    %dot_general3A_23 = arith.constant dense<0.000000e+00> : vector<128x4096xf32>
    %dot_general3A_24 = tpu.matmul %get3A_22, %get3A_1, %dot_general3A_23 {dimension_numbers = #tpu.dot_dimension_numbers<[1], [1], [0], [0], [0, 0, 1, 0], [], []>, transpose_lhs_hint = false} : vector<128x128xf32>, vector<4096x128xf32>, vector<128x4096xf32> -> vector<128x4096xf32>
    %reshape3A = vector.shape_cast %dot_general3A_19 : vector<4x32x4096xf32> to vector<128x4096xf32>
    %add3A = arith.addf %dot_general3A_24, %reshape3A : vector<128x4096xf32>
    %get3A_25 = arith.constant 0 : index
    %get3A_26 = arith.constant 0 : index
    %get3A_27 = vector.load %arg13[%get3A_25, %get3A_26] : memref<128x1xf32, #tpu.memory_space<vmem>>, vector<128x1xf32>
    %add3A_28 = vector.broadcast %get3A_27 : vector<128x1xf32> to vector<128x4096xf32>
    %add3A_29 = arith.addf %add3A, %add3A_28 : vector<128x4096xf32>
    %max3A = arith.constant 0.000000e+00 : f32
    %max3A_30 = vector.broadcast %max3A : f32 to vector<128x4096xf32>
    %max3A_31 = arith.maximumf %add3A_29, %max3A_30 : vector<128x4096xf32>
    %get3A_32 = arith.constant 0 : index
    %get3A_33 = arith.constant 0 : index
    %get3A_34 = vector.load %arg8[%get3A_32, %get3A_33] : memref<128x128xf32, #tpu.memory_space<vmem>>, vector<128x128xf32>
    %dot_general3A_35 = arith.constant dense<0.000000e+00> : vector<128x4096xf32>
    %dot_general3A_36 = tpu.matmul %get3A_34, %get3A_4, %dot_general3A_35 {dimension_numbers = #tpu.dot_dimension_numbers<[1], [1], [0], [0], [0, 0, 1, 0], [], []>, transpose_lhs_hint = false} : vector<128x128xf32>, vector<4096x128xf32>, vector<128x4096xf32> -> vector<128x4096xf32>
    %get3A_37 = arith.constant 0 : index
    %get3A_38 = arith.constant 0 : index
    %get3A_39 = vector.load %arg7[%get3A_37, %get3A_38] : memref<128x128xf32, #tpu.memory_space<vmem>>, vector<128x128xf32>
    %dot_general3A_40 = arith.constant dense<0.000000e+00> : vector<128x4096xf32>
    %dot_general3A_41 = tpu.matmul %get3A_39, %max3A_31, %dot_general3A_40 {dimension_numbers = #tpu.dot_dimension_numbers<[1], [0], [0], [1], [0, 0, 1, 1], [], []>, transpose_lhs_hint = false} : vector<128x128xf32>, vector<128x4096xf32>, vector<128x4096xf32> -> vector<128x4096xf32>
    %add3A_42 = arith.addf %dot_general3A_41, %dot_general3A_36 : vector<128x4096xf32>
    %get3A_43 = arith.constant 0 : index
    %get3A_44 = arith.constant 0 : index
    %get3A_45 = vector.load %arg14[%get3A_43, %get3A_44] : memref<128x1xf32, #tpu.memory_space<vmem>>, vector<128x1xf32>
    %add3A_46 = vector.broadcast %get3A_45 : vector<128x1xf32> to vector<128x4096xf32>
    %add3A_47 = arith.addf %add3A_42, %add3A_46 : vector<128x4096xf32>
    %max3A_48 = arith.constant 0.000000e+00 : f32
    %max3A_49 = vector.broadcast %max3A_48 : f32 to vector<128x4096xf32>
    %max3A_50 = arith.maximumf %add3A_47, %max3A_49 : vector<128x4096xf32>
    %get3A_51 = arith.constant 0 : index
    %get3A_52 = arith.constant 0 : index
    %get3A_53 = vector.load %arg11[%get3A_51, %get3A_52] : memref<4x128xf32, #tpu.memory_space<vmem>>, vector<4x128xf32>
    %dot_general3A_54 = arith.constant dense<0.000000e+00> : vector<4x4096xf32>
    %dot_general3A_55 = tpu.matmul %get3A_53, %max3A_50, %dot_general3A_54 {dimension_numbers = #tpu.dot_dimension_numbers<[1], [0], [0], [1], [0, 0, 1, 1], [], []>, transpose_lhs_hint = false} : vector<4x128xf32>, vector<128x4096xf32>, vector<4x4096xf32> -> vector<4x4096xf32>
    %eq3A = arith.constant 0 : i32
    %eq3A_56 = arith.cmpi eq, %arg0, %eq3A : i32
    %convert_element_type3A_57 = arith.extui %eq3A_56 : i1 to i32
    %cond3A = arith.constant 0 : i32
    %cond3A_58 = arith.cmpi ne, %convert_element_type3A_57, %cond3A : i32
    scf.if %cond3A_58 {
      %broadcast_in_dim3A_98 = arith.constant -1.000000e+30 : f32
      %broadcast_in_dim3A_99 = vector.broadcast %broadcast_in_dim3A_98 : f32 to vector<4x4096xf32>
      %swap3A_100 = arith.constant 0 : index
      %swap3A_101 = arith.constant 0 : index
      %swap3A_102 = vector.load %arg18[%swap3A_100, %swap3A_101] : memref<4x4096xf32, #tpu.memory_space<vmem>>, vector<4x4096xf32>
      tpu.vector_store %arg18[%swap3A_100, %swap3A_101], %broadcast_in_dim3A_99 {strides = array<i32>} : memref<4x4096xf32, #tpu.memory_space<vmem>>, vector<4x4096xf32>,
      %broadcast_in_dim3A_103 = arith.constant 0.000000e+00 : f32
      %broadcast_in_dim3A_104 = vector.broadcast %broadcast_in_dim3A_103 : f32 to vector<4x4096xf32>
      %swap3A_105 = arith.constant 0 : index
      %swap3A_106 = arith.constant 0 : index
      %swap3A_107 = vector.load %arg19[%swap3A_105, %swap3A_106] : memref<4x4096xf32, #tpu.memory_space<vmem>>, vector<4x4096xf32>
      tpu.vector_store %arg19[%swap3A_105, %swap3A_106], %broadcast_in_dim3A_104 {strides = array<i32>} : memref<4x4096xf32, #tpu.memory_space<vmem>>, vector<4x4096xf32>,
      %broadcast_in_dim3A_108 = arith.constant 0.000000e+00 : f32
      %broadcast_in_dim3A_109 = vector.broadcast %broadcast_in_dim3A_108 : f32 to vector<128x4096xf32>
      %swap3A_110 = arith.constant 0 : index
      %swap3A_111 = arith.constant 0 : index
      %swap3A_112 = vector.load %arg17[%swap3A_110, %swap3A_111] : memref<128x4096xf32, #tpu.memory_space<vmem>>, vector<128x4096xf32>
      tpu.vector_store %arg17[%swap3A_110, %swap3A_111], %broadcast_in_dim3A_109 {strides = array<i32>} : memref<128x4096xf32, #tpu.memory_space<vmem>>, vector<128x4096xf32>,
    } else {
    }
    %get3A_59 = arith.constant 0 : index
    %get3A_60 = arith.constant 0 : index
    %get3A_61 = vector.load %arg18[%get3A_59, %get3A_60] : memref<4x4096xf32, #tpu.memory_space<vmem>>, vector<4x4096xf32>
    %max3A_62 = arith.maximumf %get3A_61, %dot_general3A_55 : vector<4x4096xf32>
    %sub3A = arith.subf %get3A_61, %max3A_62 : vector<4x4096xf32>
    %exp3A = math.exp %sub3A : vector<4x4096xf32>
    %sub3A_63 = arith.subf %dot_general3A_55, %max3A_62 : vector<4x4096xf32>
    %exp3A_64 = math.exp %sub3A_63 : vector<4x4096xf32>
    %swap3A = arith.constant 0 : index
    %swap3A_65 = arith.constant 0 : index
    %swap3A_66 = vector.load %arg18[%swap3A, %swap3A_65] : memref<4x4096xf32, #tpu.memory_space<vmem>>, vector<4x4096xf32>
    tpu.vector_store %arg18[%swap3A, %swap3A_65], %max3A_62 {strides = array<i32>} : memref<4x4096xf32, #tpu.memory_space<vmem>>, vector<4x4096xf32>,
    %get3A_67 = arith.constant 0 : index
    %get3A_68 = arith.constant 0 : index
    %get3A_69 = vector.load %arg19[%get3A_67, %get3A_68] : memref<4x4096xf32, #tpu.memory_space<vmem>>, vector<4x4096xf32>
    %mul3A = arith.mulf %get3A_69, %exp3A : vector<4x4096xf32>
    %add3A_70 = arith.addf %mul3A, %exp3A_64 : vector<4x4096xf32>
    %swap3A_71 = arith.constant 0 : index
    %swap3A_72 = arith.constant 0 : index
    %swap3A_73 = vector.load %arg19[%swap3A_71, %swap3A_72] : memref<4x4096xf32, #tpu.memory_space<vmem>>, vector<4x4096xf32>
    tpu.vector_store %arg19[%swap3A_71, %swap3A_72], %add3A_70 {strides = array<i32>} : memref<4x4096xf32, #tpu.memory_space<vmem>>, vector<4x4096xf32>,
    %get3A_74 = arith.constant 0 : index
    %get3A_75 = arith.constant 0 : index
    %get3A_76 = vector.load %arg12[%get3A_74, %get3A_75] : memref<128x4xf32, #tpu.memory_space<vmem>>, vector<128x4xf32>
    %dot_general3A_77 = arith.constant dense<0.000000e+00> : vector<128x4096xf32>
    %dot_general3A_78 = tpu.matmul %get3A_76, %exp3A, %dot_general3A_77 {dimension_numbers = #tpu.dot_dimension_numbers<[1], [0], [0], [1], [0, 0, 1, 1], [], []>, transpose_lhs_hint = false} : vector<128x4xf32>, vector<4x4096xf32>, vector<128x4096xf32> -> vector<128x4096xf32>
    %get3A_79 = arith.constant 0 : index
    %get3A_80 = arith.constant 0 : index
    %get3A_81 = vector.load %arg12[%get3A_79, %get3A_80] : memref<128x4xf32, #tpu.memory_space<vmem>>, vector<128x4xf32>
    %dot_general3A_82 = arith.constant dense<0.000000e+00> : vector<128x4096xf32>
    %dot_general3A_83 = tpu.matmul %get3A_81, %exp3A_64, %dot_general3A_82 {dimension_numbers = #tpu.dot_dimension_numbers<[1], [0], [0], [1], [0, 0, 1, 1], [], []>, transpose_lhs_hint = false} : vector<128x4xf32>, vector<4x4096xf32>, vector<128x4096xf32> -> vector<128x4096xf32>
    %get3A_84 = arith.constant 0 : index
    %get3A_85 = arith.constant 0 : index
    %get3A_86 = vector.load %arg17[%get3A_84, %get3A_85] : memref<128x4096xf32, #tpu.memory_space<vmem>>, vector<128x4096xf32>
    %mul3A_87 = arith.mulf %get3A_86, %dot_general3A_78 : vector<128x4096xf32>
    %mul3A_88 = arith.mulf %dot_general3A_83, %max3A_31 : vector<128x4096xf32>
    %add3A_89 = arith.addf %mul3A_87, %mul3A_88 : vector<128x4096xf32>
    %swap3A_90 = arith.constant 0 : index
    %swap3A_91 = arith.constant 0 : index
    %swap3A_92 = vector.load %arg17[%swap3A_90, %swap3A_91] : memref<128x4096xf32, #tpu.memory_space<vmem>>, vector<128x4096xf32>
    tpu.vector_store %arg17[%swap3A_90, %swap3A_91], %add3A_89 {strides = array<i32>} : memref<128x4096xf32, #tpu.memory_space<vmem>>, vector<128x4096xf32>,
    %eq3A_93 = arith.constant 49 : i32
    %eq3A_94 = arith.cmpi eq, %arg0, %eq3A_93 : i32
    %convert_element_type3A_95 = arith.extui %eq3A_94 : i1 to i32
    %cond3A_96 = arith.constant 0 : i32
    %cond3A_97 = arith.cmpi ne, %convert_element_type3A_95, %cond3A_96 : i32
    scf.if %cond3A_97 {
      %get3A_98 = arith.constant 0 : index
      %get3A_99 = arith.constant 0 : index
      %get3A_100 = vector.load %arg12[%get3A_98, %get3A_99] : memref<128x4xf32, #tpu.memory_space<vmem>>, vector<128x4xf32>
      %div3A = arith.constant 1.000000e+00 : f32
      %div3A_101 = vector.broadcast %div3A : f32 to vector<4x4096xf32>
      %div3A_102 = arith.divf %div3A_101, %add3A_70 : vector<4x4096xf32>
      %dot_general3A_103 = arith.constant dense<0.000000e+00> : vector<128x4096xf32>
      %dot_general3A_104 = tpu.matmul %get3A_100, %div3A_102, %dot_general3A_103 {dimension_numbers = #tpu.dot_dimension_numbers<[1], [0], [0], [1], [0, 0, 1, 1], [], []>, transpose_lhs_hint = false} : vector<128x4xf32>, vector<4x4096xf32>, vector<128x4096xf32> -> vector<128x4096xf32>
      %mul3A_105 = arith.mulf %add3A_89, %dot_general3A_104 : vector<128x4096xf32>
      %get3A_106 = arith.constant 0 : index
      %get3A_107 = arith.constant 0 : index
      %get3A_108 = vector.load %arg9[%get3A_106, %get3A_107] : memref<128x128xf32, #tpu.memory_space<vmem>>, vector<128x128xf32>
      %dot_general3A_109 = arith.constant dense<0.000000e+00> : vector<128x4096xf32>
      %dot_general3A_110 = tpu.matmul %get3A_108, %get3A_4, %dot_general3A_109 {dimension_numbers = #tpu.dot_dimension_numbers<[1], [1], [0], [0], [0, 0, 1, 0], [], []>, transpose_lhs_hint = false} : vector<128x128xf32>, vector<4096x128xf32>, vector<128x4096xf32> -> vector<128x4096xf32>
      %get3A_111 = arith.constant 0 : index
      %get3A_112 = arith.constant 0 : index
      %get3A_113 = vector.load %arg10[%get3A_111, %get3A_112] : memref<128x128xf32, #tpu.memory_space<vmem>>, vector<128x128xf32>
      %dot_general3A_114 = arith.constant dense<0.000000e+00> : vector<128x4096xf32>
      %dot_general3A_115 = tpu.matmul %get3A_113, %mul3A_105, %dot_general3A_114 {dimension_numbers = #tpu.dot_dimension_numbers<[1], [0], [0], [1], [0, 0, 1, 1], [], []>, transpose_lhs_hint = false} : vector<128x128xf32>, vector<128x4096xf32>, vector<128x4096xf32> -> vector<128x4096xf32>
      %add3A_116 = arith.addf %dot_general3A_110, %dot_general3A_115 : vector<128x4096xf32>
      %get3A_117 = arith.constant 0 : index
      %get3A_118 = arith.constant 0 : index
      %get3A_119 = vector.load %arg15[%get3A_117, %get3A_118] : memref<128x1xf32, #tpu.memory_space<vmem>>, vector<128x1xf32>
      %add3A_120 = vector.broadcast %get3A_119 : vector<128x1xf32> to vector<128x4096xf32>
      %add3A_121 = arith.addf %add3A_116, %add3A_120 : vector<128x4096xf32>
      %max3A_122 = arith.constant 0.000000e+00 : f32
      %max3A_123 = vector.broadcast %max3A_122 : f32 to vector<128x4096xf32>
      %max3A_124 = arith.maximumf %add3A_121, %max3A_123 : vector<128x4096xf32>
      %transpose3A = tpu.transpose %max3A_124, [1, 0] : vector<128x4096xf32> -> vector<4096x128xf32>
      %swap3A_125 = arith.constant 0 : index
      %swap3A_126 = arith.constant 0 : index
      %swap3A_127 = vector.load %arg16[%swap3A_125, %swap3A_126] : memref<4096x128xf32, #tpu.memory_space<vmem>>, vector<4096x128xf32>
      tpu.vector_store %arg16[%swap3A_125, %swap3A_126], %transpose3A {strides = array<i32>} : memref<4096x128xf32, #tpu.memory_space<vmem>>, vector<4096x128xf32>,
    } else {
    }
    return
  }
  func.func @transform_0(%arg0: i32) -> (i32, i32) {
    %c0_i32 = arith.constant 0 : i32
    %c0_i32_0 = arith.constant 0 : i32
    return %arg0, %c0_i32 : i32, i32
  }
  func.func @transform_1(%arg0: i32) -> (i32, i32, i32) {
    %c0_i32 = arith.constant 0 : i32
    %c0_i32_0 = arith.constant 0 : i32
    %c0_i32_1 = arith.constant 0 : i32
    return %c0_i32, %c0_i32_0, %arg0 : i32, i32, i32
  }
  func.func @transform_2(%arg0: i32) -> (i32, i32) {
    %c0_i32 = arith.constant 0 : i32
    %c0_i32_0 = arith.constant 0 : i32
    %c0_i32_1 = arith.constant 0 : i32
    return %c0_i32, %c0_i32_0 : i32, i32
  }
  func.func @transform_3(%arg0: i32) -> (i32, i32) {
    %c0_i32 = arith.constant 0 : i32
    %c0_i32_0 = arith.constant 0 : i32
    %c0_i32_1 = arith.constant 0 : i32
    return %c0_i32, %c0_i32_0 : i32, i32
  }
  func.func @transform_4(%arg0: i32) -> (i32, i32) {
    %c0_i32 = arith.constant 0 : i32
    %c0_i32_0 = arith.constant 0 : i32
    %c0_i32_1 = arith.constant 0 : i32
    return %c0_i32, %c0_i32_0 : i32, i32
  }
  func.func @transform_5(%arg0: i32) -> (i32, i32) {
    %c0_i32 = arith.constant 0 : i32
    %c0_i32_0 = arith.constant 0 : i32
    %c0_i32_1 = arith.constant 0 : i32
    return %c0_i32, %c0_i32_0 : i32, i32
  }
  func.func @transform_6(%arg0: i32) -> (i32, i32) {
    %c0_i32 = arith.constant 0 : i32
    %c0_i32_0 = arith.constant 0 : i32
    %c0_i32_1 = arith.constant 0 : i32
    return %c0_i32, %c0_i32_0 : i32, i32
  }
  func.func @transform_7(%arg0: i32) -> (i32, i32) {
    %c0_i32 = arith.constant 0 : i32
    %c0_i32_0 = arith.constant 0 : i32
    %c0_i32_1 = arith.constant 0 : i32
    return %c0_i32, %c0_i32_0 : i32, i32
  }
  func.func @transform_8(%arg0: i32) -> (i32, i32) {
    %c0_i32 = arith.constant 0 : i32
    %c0_i32_0 = arith.constant 0 : i32
    %c0_i32_1 = arith.constant 0 : i32
    return %c0_i32, %c0_i32_0 : i32, i32
  }
  func.func @transform_9(%arg0: i32) -> (i32, i32) {
    %c0_i32 = arith.constant 0 : i32
    %c0_i32_0 = arith.constant 0 : i32
    %c0_i32_1 = arith.constant 0 : i32
    return %c0_i32, %c0_i32_0 : i32, i32
  }
  func.func @transform_10(%arg0: i32) -> (i32, i32) {
    %c0_i32 = arith.constant 0 : i32
    %c0_i32_0 = arith.constant 0 : i32
    %c0_i32_1 = arith.constant 0 : i32
    return %c0_i32, %c0_i32_0 : i32, i32
  }
  func.func @transform_11(%arg0: i32) -> (i32, i32) {
    %c0_i32 = arith.constant 0 : i32
    %c0_i32_0 = arith.constant 0 : i32
    %c0_i32_1 = arith.constant 0 : i32
    return %c0_i32, %c0_i32_0 : i32, i32
  }
  func.func @transform_12(%arg0: i32) -> (i32, i32) {
    %c0_i32 = arith.constant 0 : i32
    %c0_i32_0 = arith.constant 0 : i32
    %c0_i32_1 = arith.constant 0 : i32
    return %c0_i32, %c0_i32_0 : i32, i32
  }
  func.func @transform_13(%arg0: i32) -> (i32, i32) {
    %c0_i32 = arith.constant 0 : i32
    %c0_i32_0 = arith.constant 0 : i32
    %c0_i32_1 = arith.constant 0 : i32
    return %c0_i32, %c0_i32_0 : i32, i32
  }
  func.func @transform_14(%arg0: i32) -> (i32, i32) {
    %c0_i32 = arith.constant 0 : i32
    %c0_i32_0 = arith.constant 0 : i32
    %c0_i32_1 = arith.constant 0 : i32
    return %c0_i32, %c0_i32_0 : i32, i32
  }
  func.func @transform_15(%arg0: i32) -> (i32, i32) {
    %c0_i32 = arith.constant 0 : i32
    %c0_i32_0 = arith.constant 0 : i32
    %c0_i32_1 = arith.constant 0 : i32
    return %c0_i32, %c0_i32_0 : i32, i32
  }
}

</mosaic_0001>

<sc_bundles>
// kernel: kernel.4.cloned.1.call-start
scs
__scs_entry_jumppad:
0x0: {  	(pc) =	sbr.rel $0x88, $3  }
0x1: {  	(tag) =	ssettag $0x0;
	lr =	simm.s32 $0x1  }
0x2: {  	[smem:$0x3F95] =	sst lr;
	_ =	strace $0xD0000000  }
0x3: {  	_ = 	snop  }
0x4: {  	_ = 	snop  }
0x5: {  	_ = 	snop  }
0x6: {  	_ = 	snop  }
0x7: {  	_ = 	snop  }
__scs_overlays_trampoline_lowered:
0x8: {  	[smem:$0x3FA4] =	sst s0  }
0x9: {  	[smem:$0x3FA5] =	sst s1  }
0xa: {  	[smem:$0x3FA6] =	sst s2  }
0xb: {  	[smem:$0x3FA7] =	sst s3  }
0xc: {  	[smem:$0x3FA8] =	sst s4  }
0xd: {  	[smem:$0x3FA9] =	sst s5  }
0xe: {  	[smem:$0x3FAA] =	sst s6  }
0xf: {  	[smem:$0x3FAB] =	sst s7  }
0x10: {  	[smem:$0x3FAC] =	sst s8  }
0x11: {  	[smem:$0x3FAD] =	sst s9;
	s0 =	simm.s32 @!p0 $0x0  }
0x12: {  	s1 =	sld [smem:$0x3F93];
	s0 =	simm.s32 @p0 $0x1  }
0x13: {  	[smem:$0x3FAE] =	sst s0;
	s0 =	simm.s32 @!p1 $0x0  }
0x14: {  	s2 =	sld [smem:$0x3F92];
	s0 =	simm.s32 @p1 $0x1  }
0x15: {  	[smem:$0x3FAF] =	sst s0;
	s0 =	simm.s32 @!p2 $0x0  }
0x16: {  	s3 =	sld [smem:$0x3FDB];
	s0 =	simm.s32 @p2 $0x1  }
0x17: {  	s4 =	simm.s32 $0x1BF5;
	[smem:$0x3FB1] =	sst s0  }
0x18: {  	s0 =	sld [smem:$0x3F94];
	_ =	swait.ge [sflag:s4], $0x0  }
0x19: {  	s7 =	sld [smem:$0x3F95]  }
0x1a: {  	s8 =	sadd.s32 $0xFFFFE003, lr  }
0x1b: {  	s9 =	sadd.s32 $0xFFFFFEF7, lr;
	s5 =	simm.s32 $0xFFFFFFFF;
	p2 =	slt.u32 s8, $0xFFFFF086  }
0x1c: {  	p1 =	slt.u32 s9, $0xF7A;
	s5 =	simm.s32 @!p2 $0x0  }
0x1d: {  	s5 =	simm.s32 @p1 $0x1;
	p0 =	seq.s32 s7, s2  }
0x1e: {  	s7 =	smul.u32 @!p0 $0xF7A, s2;
	p2 =	seq.s32 @!p0 s5, $0x0  }
0x1f: {  	s9 =	smul.u32 $0xF7A, s1;
	s8 =	simm.s32 @!p0 $0x1BF5;
	p2 =	por !p2, p0  }
0x20: {  	[sflag:s8] =	ssyncset.s32 @!p0 $0xFFFFF086;
	s6 =	sadd.s32 @!p0 s3, s7;
	s7 =	simm.s32 @!p0 $0x108  }
0x21: {  	s3 =	sadd.s32 s3, s9;
	s6 =	sadd.s32 @!p0 $0x88, s6;
	s7 =	simm.s32 @p2 $0x1082  }
0x22: {  	[simem:s7], [sflag:s8] =	dma.local @!p0 [hbm:s6], $0xF7A  }
0x23: {  	s9 =	sor.u32 $0xD0000000, s2;
	s6 =	simm.s32 $0x108;
	_ =	swait.ge @!p0 [sflag:s8], $0x0  }
0x24: {  	s3 =	sadd.s32 $0x88, s3;
	s6 =	simm.s32 @!p1 $0x1082;
	[sflag:s4] =	ssyncset.s32 $0xFFFFF086  }
0x25: {  	[simem:s6], [sflag:s4] =	dma.local [hbm:s3], $0xF7A  }
0x26: {  	[smem:$0x3F95] =	sst s1;
	(tag) =	ssettag s2;
	_ =	strace s9  }
0x27: {  	s1 =	sld [smem:$0x3FA5]  }
0x28: {  	s2 =	sld [smem:$0x3FA6]  }
0x29: {  	s4 =	sld [smem:$0x3FA8]  }
0x2a: {  	p0 =	seq.s32 s5, $0x0;
	s5 =	sld [smem:$0x3FA9]  }
0x2b: {  	s6 =	sld [smem:$0x3FAA]  }
0x2c: {  	s7 =	sld [smem:$0x3FAB]  }
0x2d: {  	s3 =	simm.s32 $0x108;
	s8 =	sld [smem:$0x3FAC]  }
0x2e: {  	s3 =	simm.s32 @!p0 $0x1082;
	s9 =	sld [smem:$0x3FAD]  }
0x2f: {  	lr =	sadd.s32 s0, s3;
	s0 =	sld [smem:$0x3FA4]  }
0x30: {  	s3 =	sld [smem:$0x3FA7]  }
0x31: {  	[smem:$0x3FB0] =	sst s10  }
0x32: {  	s10 =	sld [smem:$0x3FAE];
	_ =	sdelay $0x3  }
0x33: {  	p0 =	seq.s32 s10, $0x1;
	s10 =	sld [smem:$0x3FB0];
	_ =	sdelay $0x3  }
0x34: {  	[smem:$0x3FB0] =	sst s10  }
0x35: {  	s10 =	sld [smem:$0x3FAF];
	_ =	sdelay $0x3  }
0x36: {  	p1 =	seq.s32 s10, $0x1;
	s10 =	sld [smem:$0x3FB0];
	_ =	sdelay $0x3  }
0x37: {  	[smem:$0x3FB0] =	sst s10  }
0x38: {  	s10 =	sld [smem:$0x3FB1]  }
0x39: {  	_ = 	snop;
	(pc) =	sbr.ind lr, $3  }
0x3a: {  	_ = 	snop  }
0x3b: {  	_ = 	snop  }
0x3c: {  	p2 =	seq.s32 s10, $0x1;
	s10 =	sld [smem:$0x3FB0]  }
0x3d: {  	_ =	shalt  }
0x3e: {  	_ =	shalt  }
0x3f: {  	_ =	shalt  }
0x40: {  	_ =	shalt  }
0x41: {  	_ =	shalt  }
0x42: {  	_ =	shalt  }
0x43: {  	_ =	shalt  }
0x44: {  	_ =	shalt  }
0x45: {  	_ =	shalt  }
0x46: {  	_ =	shalt  }
0x47: {  	_ =	shalt  }
0x48: {  	_ =	shalt  }
0x49: {  	_ =	shalt  }
0x4a: {  	_ =	shalt  }
0x4b: {  	_ =	shalt  }
0x4c: {  	_ =	shalt  }
0x4d: {  	_ =	shalt  }
0x4e: {  	_ =	shalt  }
0x4f: {  	_ =	shalt  }
0x50: {  	_ =	shalt  }
0x51: {  	_ =	shalt  }
0x52: {  	_ =	shalt  }
0x53: {  	_ =	shalt  }
0x54: {  	_ =	shalt  }
0x55: {  	_ =	shalt  }
0x56: {  	_ =	shalt  }
0x57: {  	_ =	shalt  }
0x58: {  	_ =	shalt  }
0x59: {  	_ =	shalt  }
0x5a: {  	_ =	shalt  }
0x5b: {  	_ =	shalt  }
0x5c: {  	_ =	shalt  }
0x5d: {  	_ =	shalt  }
0x5e: {  	_ =	shalt  }
0x5f: {  	_ =	shalt  }
0x60: {  	_ =	shalt  }
0x61: {  	_ =	shalt  }
0x62: {  	_ =	shalt  }
0x63: {  	_ =	shalt  }
0x64: {  	_ =	shalt  }
0x65: {  	_ =	shalt  }
0x66: {  	_ =	shalt  }
0x67: {  	_ =	shalt  }
0x68: {  	_ =	shalt  }
0x69: {  	_ =	shalt  }
0x6a: {  	_ =	shalt  }
0x6b: {  	_ =	shalt  }
0x6c: {  	_ =	shalt  }
0x6d: {  	_ =	shalt  }
0x6e: {  	_ =	shalt  }
0x6f: {  	_ =	shalt  }
0x70: {  	_ =	shalt  }
0x71: {  	_ =	shalt  }
0x72: {  	_ =	shalt  }
0x73: {  	_ =	shalt  }
0x74: {  	_ =	shalt  }
0x75: {  	_ =	shalt  }
0x76: {  	_ =	shalt  }
0x77: {  	_ =	shalt  }
0x78: {  	_ =	shalt  }
0x79: {  	_ =	shalt  }
0x7a: {  	_ =	shalt  }
0x7b: {  	_ =	shalt  }
0x7c: {  	_ =	shalt  }
0x7d: {  	_ =	shalt  }
0x7e: {  	_ =	shalt  }
0x7f: {  	_ =	shalt  }
0x80: {  	_ =	shalt  }
0x81: {  	_ =	shalt  }
0x82: {  	_ =	shalt  }
0x83: {  	_ =	shalt  }
0x84: {  	_ =	shalt  }
0x85: {  	_ =	shalt  }
0x86: {  	_ =	shalt  }
0x87: {  	_ =	shalt  }
.Lfunc_end0:
.L_simem_size_0:
called_computation_lowered:
.L_overlay_start_0:
0x88: {  	s2 =	sld [smem:$0x3FD9]  }
0x89: {  	s3 =	sld [smem:$0x3FFE];
	_ =	sdelay $0x1  }
0x8a: {  	s1 =	srdreg.scid  }
0x8b: {  	s0 =	sand.u32 $0x1, s1  }
0x8c: {  	s17 =	sshll.u32 s0, $0xA;
	s2 =	sadd.s32 s3, s2  }
0x8d: {  	s2 =	sadd.s32 s2, s17  }
0x8e: {  	[smem:$0x3FBC] =	sst s2  }
0x8f: {  	_ = 	snop  }
0x90: {  	s2 =	sld [smem:$0x3FC9]  }
0x91: {  	s18 =	sld [smem:$0x3FD0];
	(tm) =	ssettm $0x1  }
0x92: {  	s4 =	sld [smem:$0x3FFB];
	_ =	sdelay $0x3  }
0x93: {  	_ =	strace s4  }
0x94: {  	s4 =	sld [smem:$0x3FFC];
	_ =	sdelay $0x3  }
0x95: {  	_ =	strace s4  }
0x96: {  	s4 =	sld [smem:$0x3FFD];
	_ =	sdelay $0x3  }
0x97: {  	_ =	strace s4  }
0x98: {  	_ =	strace $0x8FFFFFFF  }
0x99: {  	s19 =	sld [smem:$0x3FDB];
	_ =	sdelay $0x1  }
0x9a: {  	s5 =	simm.s32 $_scs_section_size  }
0x9b: {  	s6 =	simm.s32 $_size__tile_overlayer_lowered;
	s7 =	simm.s32 $_tile_overlayer_lowered  }
0x9c: {  	s22 =	simm.s32 $0x1BFF;
	s21 =	sshll.u32 s7, $0x1;
	s4 =	sadd.s32 s5, s19  }
0x9d: {  	s8 =	simm.s32 $0x0;
	s20 =	sshll.u32 s6, $0x1;
	s6 =	sadd.s32 s21, s4  }
0x9e: {  	[timem:s8], [sflag:s22] =	dma.local [hbm:s6], s20  }
0x9f: {  	_ =	swait.ge [sflag:s22], s20  }
0xa0: {  	s5 =	ssub.s32 $0x0, s20;
	[sflag:s22] =	ssyncset.done $0x0  }
0xa1: {  	[sflag:s22] =	ssyncadd.s32 s5;
	_ =	sdelay $0x1  }
0xa2: {  	s23 =	simm.s32 $0x1B8B  }
0xa3: {  	_ =	swait.ge [sflag:s23], $0x1  }
0xa4: {  	[sflag:s23] =	ssyncset.done $0x0  }
0xa5: {  	s25 =	simm.s32 $0x1B8E;
	s24 =	sld [smem:$0x3FFE];
	[sflag:s23] =	ssyncadd.s32 $0xFFFFFFFF  }
0xa6: {  	s26 =	simm.s32 $execute0_lowered;
	[smem:$0x3FD2] =	sst s25  }
0xa7: {  	s6 =	sshll.u32 s26, $0x1;
	_ =	strace $0x80000046;
	[dreg:$0x1] =	wrdreg $0xFFFFFFFF  }
0xa8: {  	s28 =	simm.s32 $_size_execute0_lowered;
	s4 =	sadd.s32 s4, s6;
	[dreg:$0x0] =	wrdreg $0x0  }
0xa9: {  	s6 =	sshll.u32 s28, $0x1;
	[dreg:$0x2] =	wrdreg s4  }
0xaa: {  	[dreg:$0x3] =	wrdreg s6  }
0xab: {  	[dreg:$0x4] =	wrdreg $0xC0  }
0xac: {  	_ =	task [dreg:s8], $0x5FFFF  }
0xad: {  	[dreg:$0x1] =	wrdreg $0xFFFFFFFF  }
0xae: {  	[dreg:$0x0] =	wrdreg $0x60  }
0xaf: {  	[dreg:$0x2] =	wrdreg s24  }
0xb0: {  	[dreg:$0x3] =	wrdreg s2  }
0xb1: {  	[dreg:$0x4] =	wrdreg s18  }
0xb2: {  	[dreg:$0x5] =	wrdreg $0x9  }
0xb3: {  	_ =	task.clear_ibuf [dreg:s8], $0x6FFFF;
	_ =	strace $0x90000046  }
0xb4: {  	s29 =	simm.s32 $0x9;
	_ =	strace $0x80000048  }
0xb5: {  	_ =	swait.ge [sflag:s29], $0x1  }
0xb6: {  	[sflag:s29] =	ssyncadd.s32 $0xFFFFFFFF  }
0xb7: {  	_ =	strace $0x90000048  }
0xb8: {  	_ =	sfence  }
0xb9: {  	s30 =	sld [smem:$0x0];
	_ =	sdelay $0x2  }
0xba: {  	s31 =	sshll.u32 s1, $0xD;
	s1 =	sshrl.u32 s1, $0x2  }
0xbb: {  	s3 =	sand.u32 $0x4000, s31;
	s1 =	sadd.s32 s1, s30  }
0xbc: {  	s0 =	sor.u32 s3, s0;
	s1 =	sshll.u32 s1, $0x11  }
0xbd: {  	s0 =	sor.u32 s1, s0  }
0xbe: {  	s0 =	sadd.s32 $0x8F2B, s0  }
0xbf: {  	[sflag:s0] =	ssyncadd.remote.s32 $0x1  }
0xc0: {  	_ =	sfence.sel $0xFFFF  }
0xc1: {  	[dreg:$0x0] =	wrdreg $0xFFFFFFFF;
	(pc) =	sbr.abs _section_cstart, $3  }
0xc2: {  	[dreg:$0x1] =	wrdreg $0xFFFFFFFF  }
0xc3: {  	_ =	task.clear_ibuf [dreg:s8], $0x2FFFF;
	_ =	strace $0x9FFFFFFF  }
0xc4: {  	(tm) =	ssettm $0x7FFFFFFF  }
0xc5: {  	_ =	shalt  }
tec
execute0_lowered:
.L_overlay_start_1:
0x0: {  	(tag) =	ssettag $0x1  }
0x1: {  	s0 =	rddreg [dreg:$0x0]  }
0x2: {  	s1 =	rddreg [dreg:$0x1]  }
0x3: {  	s4 =	rddreg [dreg:$0x2];
	s2 =	simm.s32 $0x0;
	s3 =	srdreg.scid  }
0x4: {  	s14 =	stileid.u32;
	s13 =	simm.s32 $0x480;
	s15 =	simm.s32 $0x9800  }
0x5: {  	s16 =	simm.s32 $0x500;
	s17 =	simm.s32 $0xA800;
	s18 =	simm.s32 $0x580  }
0x6: {  	s19 =	simm.s32 $0xB800;
	s20 =	simm.s32 $0x600;
	s28 =	simm.s32 $0x1  }
0x7: {  	s29 =	simm.s32 $0x400;
	s30 =	simm.s32 $0x8800;
	s31 =	simm.s32 $0xF800  }
0x8: {  	[smem:$0x7FF] =	sst s2;
	s6 =	sand.u32 $0x1, s3;
	s21 =	sshll.u32 s14, $0x1  }
0x9: {  	s3 =	sadd.s32 $0xF44800, s0;
	_ =	strace $0x80000047;
	[dreg:$0x6] =	wrdreg s13  }
0xa: {  	s9 =	sadd.s32 $0x2400, s0;
	s10 =	smul.u32 $0x190, s14;
	[dreg:$0x7] =	wrdreg s15  }
0xb: {  	s0 =	sadd.s32 $0x1B400, s0;
	s25 =	smul.u32 $0xC800, s14;
	[dreg:$0x8] =	wrdreg s16  }
0xc: {  	p0 =	sgt.u32 s14, $0x7;
	s12 =	smul.u32 $0xC8, s6;
	[dreg:$0x9] =	wrdreg s17  }
0xd: {  	s5 =	sor.u32 s6, s21;
	s26 =	smul.u32 $0x6400, s6;
	[dreg:$0xa] =	wrdreg s18  }
0xe: {  	s8 =	ssub.s32 $0x2, s6;
	s6 =	smul.u32 $0x19000, s6;
	[dreg:$0xb] =	wrdreg s19  }
0xf: {  	s13 =	simm.s32 $0x800;
	s17 =	simm.s32 $0x180;
	[dreg:$0xc] =	wrdreg s20  }
0x10: {  	s21 =	simm.s32 $0xC800;
	s18 =	simm.s32 $0x3800;
	s19 =	simm.s32 $0x200  }
0x11: {  	s20 =	simm.s32 $0x4800;
	s7 =	smul.u32 $0x6400, s5;
	s11 =	sshrl.u32 s8, $0x1  }
0x12: {  	s23 =	sshll.u32 s5, $0x7;
	s5 =	sshll.u32 s5, $0xC;
	[dreg:$0xd] =	wrdreg s21  }
0x13: {  	s21 =	simm.s32 $0x280;
	s8 =	ssub.s32 s8, s11;
	s1 =	sadd.s32 s1, s23  }
0x14: {  	s10 =	sadd.s32 s12, s10;
	s4 =	sadd.s32 s4, s5;
	[dreg:$0x15] =	wrdreg s1  }
0x15: {  	s23 =	simm.s32 $0xD800;
	s7 =	sadd.s32 $0x6000, s7;
	[dreg:$0x16] =	wrdreg s4  }
0x16: {  	s10 =	sadd.s32 $0x8, s10;
	s5 =	smax.u32 s8, $0x1;
	[dreg:$0xf] =	wrdreg s23  }
0x17: {  	s23 =	simm.s32 $0x300;
	s22 =	sshrl.u32 s7, $0x3;
	s7 =	sshll.u32 s7, $0x2  }
0x18: {  	s24 =	sshrl.u32 s10, $0x3;
	[dreg:$0x17] =	wrdreg s5;
	s11 =	sadd.s32 s9, s22  }
0x19: {  	s5 =	simm.s32 $0x0;
	s7 =	sadd.s32 s0, s7;
	[dreg:$0x13] =	wrdreg s11  }
0x1a: {  	s10 =	sshll.u32 s24, $0xC;
	s22 =	simm.s32 $0x680;
	[dreg:$0x14] =	wrdreg s7  }
0x1b: {  	s1 =	sshll.u32 s24, $0x7;
	s24 =	simm.s32 $0x700;
	[dreg:$0xe] =	wrdreg s22  }
0x1c: {  	s8 =	sadd.s32 s10, s0;
	s10 =	smul.u32 $0x32000, s14;
	[dreg:$0x10] =	wrdreg s24  }
0x1d: {  	s7 =	sadd.s32 s26, s25;
	s1 =	sadd.s32 s1, s9;
	[dreg:$0x18] =	wrdreg s8  }
0x1e: {  	s11 =	simm.s32 $0x3;
	s25 =	simm.s32 $0xE800;
	[dreg:$0x4] =	wrdreg s1  }
0x1f: {  	s22 =	simm.s32 $0x5800;
	s26 =	simm.s32 $0x780;
	[dreg:$0x11] =	wrdreg s25  }
0x20: {  	s24 =	simm.s32 $0x6800;
	s7 =	sshrl.u32 s7, $0x3;
	[dreg:$0x12] =	wrdreg s26  }
0x21: {  	s25 =	simm.s32 $0x380;
	s0 =	sadd.s32 s10, s0;
	s12 =	sadd.s32 s7, s9  }
0x22: {  	s26 =	simm.s32 $0x7800;
	s0 =	sadd.s32 s6, s0;
	[dreg:$0x5] =	wrdreg s12  }
0x23: {  	s12 =	simm.s32 $0x80;
	[dreg:$0x19] =	wrdreg s0;
	s0 =	simm.s32 $0x2  }
.LBB2_1:
0x24: {  	s4 =	rddreg [dreg:$0x5]  }
0x25: {  	[dreg:$0x1a] =	wrdreg s5;
	s4 =	sadd.s32 $0x0, s4  }
0x26: {  	[tilespmem:s2], [sflag:$0x3] =	stream.linear.gather [hbm4b:s4+s2], $0x400, $0x38;
	[tilespmem:$0x10800] =	vst v63  }
0x27: {  	_ =	swait.ge [sflag:s11], $0x400  }
0x28: {  	[sflag:s11] =	ssyncset.done $0x0  }
0x29: {  	[sflag:s11] =	ssyncadd.s32 $0xFFFFFC00  }
0x2a: {  	[tilespmem:s13], [sflag:$0x1] =	stream.indirect.gather [hbm4b:s3+s12], $0x20, s2, s12, $0xb8;
	[tilespmem:$0x10800] =	vst v63  }
0x2b: {  	s1 =	simm.s32 $0x1800  }
0x2c: {  	[tilespmem:s1], [sflag:$0x1] =	stream.indirect.gather [hbm4b:s3+s12], $0x20, s12, s12, $0xb8;
	[tilespmem:$0x10800] =	vst v63  }
0x2d: {  	s5 =	simm.s32 $0x100;
	s6 =	simm.s32 $0x2800  }
0x2e: {  	[tilespmem:s6], [sflag:$0x1] =	stream.indirect.gather [hbm4b:s3+s12], $0x20, s5, s12, $0xb8;
	[tilespmem:$0x10800] =	vst v63  }
0x2f: {  	_ = 	snop  }
0x30: {  	[tilespmem:s18], [sflag:$0x1] =	stream.indirect.gather [hbm4b:s3+s12], $0x20, s17, s12, $0xb8;
	[tilespmem:$0x10800] =	vst v63  }
0x31: {  	_ = 	snop  }
0x32: {  	[tilespmem:s20], [sflag:$0x1] =	stream.indirect.gather [hbm4b:s3+s12], $0x20, s19, s12, $0xb8;
	[tilespmem:$0x10800] =	vst v63  }
0x33: {  	_ = 	snop  }
0x34: {  	[tilespmem:s22], [sflag:$0x1] =	stream.indirect.gather [hbm4b:s3+s12], $0x20, s21, s12, $0xb8;
	[tilespmem:$0x10800] =	vst v63  }
0x35: {  	_ = 	snop  }
0x36: {  	[tilespmem:s24], [sflag:$0x1] =	stream.indirect.gather [hbm4b:s3+s12], $0x20, s23, s12, $0xb8;
	[tilespmem:$0x10800] =	vst v63  }
0x37: {  	_ = 	snop  }
0x38: {  	[tilespmem:s26], [sflag:$0x1] =	stream.indirect.gather [hbm4b:s3+s12], $0x20, s25, s12, $0xb8;
	[tilespmem:$0x10800] =	vst v63  }
0x39: {  	_ =	swait.ge [sflag:s28], $0x1000  }
0x3a: {  	[sflag:s28] =	ssyncset.done $0x0  }
0x3b: {  	[sflag:s28] =	ssyncadd.s32 $0xFFFFF000  }
0x3c: {  	_ =	swait.ge [sflag:s28], $0x1000  }
0x3d: {  	[sflag:s28] =	ssyncset.done $0x0  }
0x3e: {  	[sflag:s28] =	ssyncadd.s32 $0xFFFFF000  }
0x3f: {  	_ =	swait.ge [sflag:s28], $0x1000  }
0x40: {  	[sflag:s28] =	ssyncset.done $0x0  }
0x41: {  	[sflag:s28] =	ssyncadd.s32 $0xFFFFF000  }
0x42: {  	_ =	swait.ge [sflag:s28], $0x1000  }
0x43: {  	[sflag:s28] =	ssyncset.done $0x0  }
0x44: {  	[sflag:s28] =	ssyncadd.s32 $0xFFFFF000  }
0x45: {  	_ =	swait.ge [sflag:s28], $0x1000  }
0x46: {  	[sflag:s28] =	ssyncset.done $0x0  }
0x47: {  	[sflag:s28] =	ssyncadd.s32 $0xFFFFF000  }
0x48: {  	_ =	swait.ge [sflag:s28], $0x1000  }
0x49: {  	[sflag:s28] =	ssyncset.done $0x0  }
0x4a: {  	[sflag:s28] =	ssyncadd.s32 $0xFFFFF000  }
0x4b: {  	_ =	swait.ge [sflag:s28], $0x1000  }
0x4c: {  	[sflag:s28] =	ssyncset.done $0x0  }
0x4d: {  	[sflag:s28] =	ssyncadd.s32 $0xFFFFF000  }
0x4e: {  	_ =	swait.ge [sflag:s28], $0x1000  }
0x4f: {  	[sflag:s28] =	ssyncset.done $0x0;
	s7 =	rddreg [dreg:$0x4]  }
0x50: {  	s1 =	rddreg [dreg:$0x19];
	[sflag:s28] =	ssyncadd.s32 $0xFFFFF000  }
0x51: {  	[hbm4b:s1+s2] =	stream.linear.scatter [tilespmem:s13], [sflag:$0x2], $0x8000, $0x38;
	[tilespmem:$0x10800] =	vst v63  }
0x52: {  	s4 =	sadd.s32 $0x0, s7  }
0x53: {  	[tilespmem:s29], [sflag:$0x3] =	stream.linear.gather [hbm4b:s4+s2], $0x400, $0x38;
	[tilespmem:$0x10800] =	vst v63  }
0x54: {  	_ =	swait.ge [sflag:s11], $0x400  }
0x55: {  	s8 =	rddreg [dreg:$0x8]  }
0x56: {  	s7 =	rddreg [dreg:$0x6]  }
0x57: {  	s9 =	rddreg [dreg:$0x7]  }
0x58: {  	s10 =	rddreg [dreg:$0x9]  }
0x59: {  	[sflag:s11] =	ssyncset.done $0x0;
	s14 =	rddreg [dreg:$0xa]  }
0x5a: {  	s15 =	rddreg [dreg:$0xb];
	[sflag:s11] =	ssyncadd.s32 $0xFFFFFC00  }
0x5b: {  	[tilespmem:s30], [sflag:$0x1] =	stream.indirect.gather [hbm4b:s3+s12], $0x20, s29, s12, $0xb8;
	[tilespmem:$0x10800] =	vst v63  }
0x5c: {  	s16 =	rddreg [dreg:$0xd]  }
0x5d: {  	[tilespmem:s9], [sflag:$0x1] =	stream.indirect.gather [hbm4b:s3+s12], $0x20, s7, s12, $0xb8;
	[tilespmem:$0x10800] =	vst v63  }
0x5e: {  	s5 =	rddreg [dreg:$0xc]  }
0x5f: {  	[tilespmem:s10], [sflag:$0x1] =	stream.indirect.gather [hbm4b:s3+s12], $0x20, s8, s12, $0xb8;
	[tilespmem:$0x10800] =	vst v63  }
0x60: {  	s6 =	rddreg [dreg:$0xf]  }
0x61: {  	[tilespmem:s15], [sflag:$0x1] =	stream.indirect.gather [hbm4b:s3+s12], $0x20, s14, s12, $0xb8;
	[tilespmem:$0x10800] =	vst v63  }
0x62: {  	s8 =	rddreg [dreg:$0xe]  }
0x63: {  	[tilespmem:s16], [sflag:$0x1] =	stream.indirect.gather [hbm4b:s3+s12], $0x20, s5, s12, $0xb8;
	[tilespmem:$0x10800] =	vst v63  }
0x64: {  	s14 =	rddreg [dreg:$0x11]  }
0x65: {  	[tilespmem:s6], [sflag:$0x1] =	stream.indirect.gather [hbm4b:s3+s12], $0x20, s8, s12, $0xb8;
	[tilespmem:$0x10800] =	vst v63  }
0x66: {  	s15 =	rddreg [dreg:$0x10]  }
0x67: {  	[tilespmem:s14], [sflag:$0x1] =	stream.indirect.gather [hbm4b:s3+s12], $0x20, s15, s12, $0xb8;
	[tilespmem:$0x10800] =	vst v63  }
0x68: {  	s16 =	rddreg [dreg:$0x12]  }
0x69: {  	[tilespmem:s31], [sflag:$0x1] =	stream.indirect.gather [hbm4b:s3+s12], $0x20, s16, s12, $0xb8;
	[tilespmem:$0x10800] =	vst v63  }
0x6a: {  	_ =	swait.ge [sflag:s28], $0x1000  }
0x6b: {  	[sflag:s28] =	ssyncset.done $0x0  }
0x6c: {  	[sflag:s28] =	ssyncadd.s32 $0xFFFFF000  }
0x6d: {  	_ =	swait.ge [sflag:s28], $0x1000  }
0x6e: {  	[sflag:s28] =	ssyncset.done $0x0  }
0x6f: {  	[sflag:s28] =	ssyncadd.s32 $0xFFFFF000  }
0x70: {  	_ =	swait.ge [sflag:s28], $0x1000  }
0x71: {  	[sflag:s28] =	ssyncset.done $0x0  }
0x72: {  	[sflag:s28] =	ssyncadd.s32 $0xFFFFF000  }
0x73: {  	_ =	swait.ge [sflag:s28], $0x1000  }
0x74: {  	[sflag:s28] =	ssyncset.done $0x0  }
0x75: {  	[sflag:s28] =	ssyncadd.s32 $0xFFFFF000  }
0x76: {  	_ =	swait.ge [sflag:s28], $0x1000  }
0x77: {  	[sflag:s28] =	ssyncset.done $0x0  }
0x78: {  	[sflag:s28] =	ssyncadd.s32 $0xFFFFF000  }
0x79: {  	_ =	swait.ge [sflag:s28], $0x1000  }
0x7a: {  	[sflag:s28] =	ssyncset.done $0x0  }
0x7b: {  	[sflag:s28] =	ssyncadd.s32 $0xFFFFF000  }
0x7c: {  	_ =	swait.ge [sflag:s28], $0x1000  }
0x7d: {  	[sflag:s28] =	ssyncset.done $0x0  }
0x7e: {  	[sflag:s28] =	ssyncadd.s32 $0xFFFFF000  }
0x7f: {  	_ =	swait.ge [sflag:s28], $0x1000  }
0x80: {  	s4 =	simm.s32 $0x100;
	[sflag:s28] =	ssyncset.done $0x0  }
0x81: {  	s10 =	smov.u32 s1;
	s9 =	rddreg [dreg:$0x18];
	[sflag:s28] =	ssyncadd.s32 $0xFFFFF000  }
0x82: {  	[hbm4b:s9+s2] =	stream.linear.scatter [tilespmem:s30], [sflag:$0x2], $0x8000, $0x38;
	[tilespmem:$0x10800] =	vst v63  }
.LBB2_2:
0x83: {  	_ =	swait.ge [sflag:s0], $0x8000  }
0x84: {  	[sflag:s0] =	ssyncset.done $0x0  }
0x85: {  	[sflag:s0] =	ssyncadd.s32 $0xFFFF8000  }
0x86: {  	_ =	swait.ge [sflag:s0], $0x8000  }
0x87: {  	s7 =	smov.u32 s4;
	s8 =	rddreg [dreg:$0x5];
	[sflag:s0] =	ssyncset.done $0x0  }
0x88: {  	[sflag:s0] =	ssyncadd.s32 $0xFFFF8000;
	s8 =	sadd.s32 s7, s8  }
0x89: {  	[tilespmem:s2], [sflag:$0x3] =	stream.linear.gather [hbm4b:s8+s2], $0x400, $0x38;
	[tilespmem:$0x10800] =	vst v63  }
0x8a: {  	_ =	swait.ge [sflag:s11], $0x400  }
0x8b: {  	[sflag:s11] =	ssyncset.done $0x0  }
0x8c: {  	[sflag:s11] =	ssyncadd.s32 $0xFFFFFC00  }
0x8d: {  	[tilespmem:s13], [sflag:$0x1] =	stream.indirect.gather [hbm4b:s3+s12], $0x20, s2, s12, $0xb8;
	[tilespmem:$0x10800] =	vst v63  }
0x8e: {  	s1 =	simm.s32 $0x1800  }
0x8f: {  	[tilespmem:s1], [sflag:$0x1] =	stream.indirect.gather [hbm4b:s3+s12], $0x20, s12, s12, $0xb8;
	[tilespmem:$0x10800] =	vst v63  }
0x90: {  	s5 =	simm.s32 $0x2800;
	s8 =	simm.s32 $0x100  }
0x91: {  	[tilespmem:s5], [sflag:$0x1] =	stream.indirect.gather [hbm4b:s3+s12], $0x20, s8, s12, $0xb8;
	[tilespmem:$0x10800] =	vst v63  }
0x92: {  	_ = 	snop  }
0x93: {  	[tilespmem:s18], [sflag:$0x1] =	stream.indirect.gather [hbm4b:s3+s12], $0x20, s17, s12, $0xb8;
	[tilespmem:$0x10800] =	vst v63  }
0x94: {  	_ = 	snop  }
0x95: {  	[tilespmem:s20], [sflag:$0x1] =	stream.indirect.gather [hbm4b:s3+s12], $0x20, s19, s12, $0xb8;
	[tilespmem:$0x10800] =	vst v63  }
0x96: {  	_ = 	snop  }
0x97: {  	[tilespmem:s22], [sflag:$0x1] =	stream.indirect.gather [hbm4b:s3+s12], $0x20, s21, s12, $0xb8;
	[tilespmem:$0x10800] =	vst v63  }
0x98: {  	_ = 	snop  }
0x99: {  	[tilespmem:s24], [sflag:$0x1] =	stream.indirect.gather [hbm4b:s3+s12], $0x20, s23, s12, $0xb8;
	[tilespmem:$0x10800] =	vst v63  }
0x9a: {  	_ = 	snop  }
0x9b: {  	[tilespmem:s26], [sflag:$0x1] =	stream.indirect.gather [hbm4b:s3+s12], $0x20, s25, s12, $0xb8;
	[tilespmem:$0x10800] =	vst v63  }
0x9c: {  	_ =	swait.ge [sflag:s28], $0x1000  }
0x9d: {  	[sflag:s28] =	ssyncset.done $0x0  }
0x9e: {  	[sflag:s28] =	ssyncadd.s32 $0xFFFFF000  }
0x9f: {  	_ =	swait.ge [sflag:s28], $0x1000  }
0xa0: {  	[sflag:s28] =	ssyncset.done $0x0  }
0xa1: {  	[sflag:s28] =	ssyncadd.s32 $0xFFFFF000  }
0xa2: {  	_ =	swait.ge [sflag:s28], $0x1000  }
0xa3: {  	[sflag:s28] =	ssyncset.done $0x0  }
0xa4: {  	[sflag:s28] =	ssyncadd.s32 $0xFFFFF000  }
0xa5: {  	_ =	swait.ge [sflag:s28], $0x1000  }
0xa6: {  	[sflag:s28] =	ssyncset.done $0x0  }
0xa7: {  	[sflag:s28] =	ssyncadd.s32 $0xFFFFF000  }
0xa8: {  	_ =	swait.ge [sflag:s28], $0x1000  }
0xa9: {  	[sflag:s28] =	ssyncset.done $0x0  }
0xaa: {  	[sflag:s28] =	ssyncadd.s32 $0xFFFFF000  }
0xab: {  	_ =	swait.ge [sflag:s28], $0x1000  }
0xac: {  	[sflag:s28] =	ssyncset.done $0x0  }
0xad: {  	[sflag:s28] =	ssyncadd.s32 $0xFFFFF000  }
0xae: {  	_ =	swait.ge [sflag:s28], $0x1000  }
0xaf: {  	[sflag:s28] =	ssyncset.done $0x0  }
0xb0: {  	[sflag:s28] =	ssyncadd.s32 $0xFFFFF000  }
0xb1: {  	_ =	swait.ge [sflag:s28], $0x1000  }
0xb2: {  	[sflag:s28] =	ssyncset.done $0x0  }
0xb3: {  	s10 =	sadd.s32 $0x2000, s10;
	s14 =	rddreg [dreg:$0x4];
	[sflag:s28] =	ssyncadd.s32 $0xFFFFF000  }
0xb4: {  	[hbm4b:s10+s2] =	stream.linear.scatter [tilespmem:s13], [sflag:$0x2], $0x8000, $0x38;
	[tilespmem:$0x10800] =	vst v63  }
0xb5: {  	s7 =	sadd.s32 s7, s14  }
0xb6: {  	[tilespmem:s29], [sflag:$0x3] =	stream.linear.gather [hbm4b:s7+s2], $0x400, $0x38;
	[tilespmem:$0x10800] =	vst v63  }
0xb7: {  	_ =	swait.ge [sflag:s11], $0x400  }
0xb8: {  	s7 =	rddreg [dreg:$0x11]  }
0xb9: {  	s8 =	rddreg [dreg:$0xf]  }
0xba: {  	s5 =	rddreg [dreg:$0xd]  }
0xbb: {  	s6 =	rddreg [dreg:$0xa]  }
0xbc: {  	[sflag:s11] =	ssyncset.done $0x0;
	s1 =	rddreg [dreg:$0x8]  }
0xbd: {  	s14 =	rddreg [dreg:$0x6];
	[sflag:s11] =	ssyncadd.s32 $0xFFFFFC00  }
0xbe: {  	[tilespmem:s30], [sflag:$0x1] =	stream.indirect.gather [hbm4b:s3+s12], $0x20, s29, s12, $0xb8;
	[tilespmem:$0x10800] =	vst v63  }
0xbf: {  	s15 =	rddreg [dreg:$0x7]  }
0xc0: {  	[tilespmem:s15], [sflag:$0x1] =	stream.indirect.gather [hbm4b:s3+s12], $0x20, s14, s12, $0xb8;
	[tilespmem:$0x10800] =	vst v63  }
0xc1: {  	s16 =	rddreg [dreg:$0x9]  }
0xc2: {  	[tilespmem:s16], [sflag:$0x1] =	stream.indirect.gather [hbm4b:s3+s12], $0x20, s1, s12, $0xb8;
	[tilespmem:$0x10800] =	vst v63  }
0xc3: {  	s15 =	rddreg [dreg:$0xb]  }
0xc4: {  	[tilespmem:s15], [sflag:$0x1] =	stream.indirect.gather [hbm4b:s3+s12], $0x20, s6, s12, $0xb8;
	[tilespmem:$0x10800] =	vst v63  }
0xc5: {  	s16 =	rddreg [dreg:$0xc]  }
0xc6: {  	[tilespmem:s5], [sflag:$0x1] =	stream.indirect.gather [hbm4b:s3+s12], $0x20, s16, s12, $0xb8;
	[tilespmem:$0x10800] =	vst v63  }
0xc7: {  	s14 =	rddreg [dreg:$0xe]  }
0xc8: {  	[tilespmem:s8], [sflag:$0x1] =	stream.indirect.gather [hbm4b:s3+s12], $0x20, s14, s12, $0xb8;
	[tilespmem:$0x10800] =	vst v63  }
0xc9: {  	s15 =	rddreg [dreg:$0x10]  }
0xca: {  	[tilespmem:s7], [sflag:$0x1] =	stream.indirect.gather [hbm4b:s3+s12], $0x20, s15, s12, $0xb8;
	[tilespmem:$0x10800] =	vst v63  }
0xcb: {  	s16 =	rddreg [dreg:$0x12]  }
0xcc: {  	[tilespmem:s31], [sflag:$0x1] =	stream.indirect.gather [hbm4b:s3+s12], $0x20, s16, s12, $0xb8;
	[tilespmem:$0x10800] =	vst v63  }
0xcd: {  	_ =	swait.ge [sflag:s28], $0x1000  }
0xce: {  	[sflag:s28] =	ssyncset.done $0x0  }
0xcf: {  	[sflag:s28] =	ssyncadd.s32 $0xFFFFF000  }
0xd0: {  	_ =	swait.ge [sflag:s28], $0x1000  }
0xd1: {  	[sflag:s28] =	ssyncset.done $0x0  }
0xd2: {  	[sflag:s28] =	ssyncadd.s32 $0xFFFFF000  }
0xd3: {  	_ =	swait.ge [sflag:s28], $0x1000  }
0xd4: {  	[sflag:s28] =	ssyncset.done $0x0  }
0xd5: {  	[sflag:s28] =	ssyncadd.s32 $0xFFFFF000  }
0xd6: {  	_ =	swait.ge [sflag:s28], $0x1000  }
0xd7: {  	[sflag:s28] =	ssyncset.done $0x0  }
0xd8: {  	[sflag:s28] =	ssyncadd.s32 $0xFFFFF000  }
0xd9: {  	_ =	swait.ge [sflag:s28], $0x1000  }
0xda: {  	[sflag:s28] =	ssyncset.done $0x0  }
0xdb: {  	[sflag:s28] =	ssyncadd.s32 $0xFFFFF000  }
0xdc: {  	_ =	swait.ge [sflag:s28], $0x1000  }
0xdd: {  	[sflag:s28] =	ssyncset.done $0x0  }
0xde: {  	[sflag:s28] =	ssyncadd.s32 $0xFFFFF000  }
0xdf: {  	_ =	swait.ge [sflag:s28], $0x1000  }
0xe0: {  	p1 =	sne.s32 s4, $0xB00;
	[sflag:s28] =	ssyncset.done $0x0  }
.Ltmp0:
0xe1: {  	[sflag:s28] =	ssyncadd.s32 $0xFFFFF000;
	(pc) =	sbr.rel @p1 .LBB2_2-.Ltmp0, $4  }
0xe2: {  	_ =	swait.ge [sflag:s28], $0x1000  }
0xe3: {  	[sflag:s28] =	ssyncset.done $0x0  }
0xe4: {  	s9 =	sadd.s32 $0x2000, s9;
	s4 =	sadd.s32 $0x100, s4;
	[sflag:s28] =	ssyncadd.s32 $0xFFFFF000  }
0xe5: {  	[hbm4b:s9+s2] =	stream.linear.scatter [tilespmem:s30], [sflag:$0x2], $0x8000, $0x38;
	[tilespmem:$0x10800] =	vst v63  }
0xe6: {  	_ =	swait.ge [sflag:s0], $0x8000  }
0xe7: {  	[sflag:s0] =	ssyncset.done $0x0  }
0xe8: {  	[sflag:s0] =	ssyncadd.s32 $0xFFFF8000  }
0xe9: {  	_ =	swait.ge [sflag:s0], $0x8000  }
0xea: {  	[sflag:s0] =	ssyncset.done $0x0  }
0xeb: {  	s1 =	rddreg [dreg:$0x13];
	[sflag:s0] =	ssyncadd.s32 $0xFFFF8000  }
0xec: {  	[tilespmem:s2], [sflag:$0x3] =	stream.linear.gather [hbm4b:s1+s2], $0x400, $0x38;
	[tilespmem:$0x10800] =	vst v63  }
0xed: {  	_ =	swait.ge [sflag:s11], $0x400  }
0xee: {  	[sflag:s11] =	ssyncset.done $0x0  }
0xef: {  	[sflag:s11] =	ssyncadd.s32 $0xFFFFFC00  }
0xf0: {  	[tilespmem:s13], [sflag:$0x1] =	stream.indirect.gather [hbm4b:s3+s12], $0x20, s2, s12, $0xb8;
	[tilespmem:$0x10800] =	vst v63  }
0xf1: {  	s9 =	simm.s32 $0x1800  }
0xf2: {  	[tilespmem:s9], [sflag:$0x1] =	stream.indirect.gather [hbm4b:s3+s12], $0x20, s12, s12, $0xb8;
	[tilespmem:$0x10800] =	vst v63  }
0xf3: {  	s10 =	simm.s32 $0x100;
	s4 =	simm.s32 $0x2800  }
0xf4: {  	[tilespmem:s4], [sflag:$0x1] =	stream.indirect.gather [hbm4b:s3+s12], $0x20, s10, s12, $0xb8;
	[tilespmem:$0x10800] =	vst v63  }
0xf5: {  	_ = 	snop  }
0xf6: {  	[tilespmem:s18], [sflag:$0x1] =	stream.indirect.gather [hbm4b:s3+s12], $0x20, s17, s12, $0xb8;
	[tilespmem:$0x10800] =	vst v63  }
0xf7: {  	_ = 	snop  }
0xf8: {  	[tilespmem:s20], [sflag:$0x1] =	stream.indirect.gather [hbm4b:s3+s12], $0x20, s19, s12, $0xb8;
	[tilespmem:$0x10800] =	vst v63  }
0xf9: {  	_ = 	snop  }
0xfa: {  	[tilespmem:s22], [sflag:$0x1] =	stream.indirect.gather [hbm4b:s3+s12], $0x20, s21, s12, $0xb8;
	[tilespmem:$0x10800] =	vst v63  }
0xfb: {  	_ = 	snop  }
0xfc: {  	[tilespmem:s24], [sflag:$0x1] =	stream.indirect.gather [hbm4b:s3+s12], $0x20, s23, s12, $0xb8;
	[tilespmem:$0x10800] =	vst v63  }
0xfd: {  	_ = 	snop  }
0xfe: {  	[tilespmem:s26], [sflag:$0x1] =	stream.indirect.gather [hbm4b:s3+s12], $0x20, s25, s12, $0xb8;
	[tilespmem:$0x10800] =	vst v63  }
0xff: {  	_ =	swait.ge [sflag:s28], $0x1000  }
0x100: {  	[sflag:s28] =	ssyncset.done $0x0  }
0x101: {  	[sflag:s28] =	ssyncadd.s32 $0xFFFFF000  }
0x102: {  	_ =	swait.ge [sflag:s28], $0x1000  }
0x103: {  	[sflag:s28] =	ssyncset.done $0x0  }
0x104: {  	[sflag:s28] =	ssyncadd.s32 $0xFFFFF000  }
0x105: {  	_ =	swait.ge [sflag:s28], $0x1000  }
0x106: {  	[sflag:s28] =	ssyncset.done $0x0  }
0x107: {  	[sflag:s28] =	ssyncadd.s32 $0xFFFFF000  }
0x108: {  	_ =	swait.ge [sflag:s28], $0x1000  }
0x109: {  	[sflag:s28] =	ssyncset.done $0x0  }
0x10a: {  	[sflag:s28] =	ssyncadd.s32 $0xFFFFF000  }
0x10b: {  	_ =	swait.ge [sflag:s28], $0x1000  }
0x10c: {  	[sflag:s28] =	ssyncset.done $0x0  }
0x10d: {  	[sflag:s28] =	ssyncadd.s32 $0xFFFFF000  }
0x10e: {  	_ =	swait.ge [sflag:s28], $0x1000  }
0x10f: {  	[sflag:s28] =	ssyncset.done $0x0  }
0x110: {  	[sflag:s28] =	ssyncadd.s32 $0xFFFFF000  }
0x111: {  	_ =	swait.ge [sflag:s28], $0x1000  }
0x112: {  	[sflag:s28] =	ssyncset.done $0x0  }
0x113: {  	[sflag:s28] =	ssyncadd.s32 $0xFFFFF000  }
0x114: {  	_ =	swait.ge [sflag:s28], $0x1000  }
0x115: {  	[sflag:s28] =	ssyncset.done $0x0  }
0x116: {  	s14 =	rddreg [dreg:$0x14];
	[sflag:s28] =	ssyncadd.s32 $0xFFFFF000  }
0x117: {  	[hbm4b:s14+s2] =	stream.linear.scatter [tilespmem:s13], [sflag:$0x2], $0x8000, $0x38;
	[tilespmem:$0x10800] =	vst v63  }
0x118: {  	_ =	swait.ge [sflag:s0], $0x8000  }
0x119: {  	[sflag:s0] =	ssyncset.done $0x0  }
0x11a: {  	s1 =	simm.s32 @!p0 $0x0;
	s4 =	rddreg [dreg:$0x15];
	[sflag:s0] =	ssyncadd.s32 $0xFFFF8000  }
0x11b: {  	[tilespmem:s1], [sflag:$0x3] =	stream.linear.gather @!p0 [hbm4b:s4+s1], $0x400, $0x38;
	[tilespmem:$0x10800] =	vst v63  }
0x11c: {  	s4 =	simm.s32 @!p0 $0x3  }
0x11d: {  	_ =	swait.ge @!p0 [sflag:s4], $0x400  }
0x11e: {  	[sflag:s4] =	ssyncset.done @!p0 $0x0  }
0x11f: {  	s5 =	simm.s32 @!p0 $0x80;
	s6 =	simm.s32 @!p0 $0x800;
	[sflag:s4] =	ssyncadd.s32 @!p0 $0xFFFFFC00  }
0x120: {  	[tilespmem:s6], [sflag:$0x1] =	stream.indirect.gather @!p0 [hbm4b:s3+s5], $0x20, s1, s5, $0xb8;
	[tilespmem:$0x10800] =	vst v63  }
0x121: {  	s7 =	simm.s32 @!p0 $0x1800  }
0x122: {  	[tilespmem:s7], [sflag:$0x1] =	stream.indirect.gather @!p0 [hbm4b:s3+s5], $0x20, s5, s5, $0xb8;
	[tilespmem:$0x10800] =	vst v63  }
0x123: {  	s8 =	simm.s32 @!p0 $0x2800;
	s7 =	simm.s32 @!p0 $0x100  }
0x124: {  	[tilespmem:s8], [sflag:$0x1] =	stream.indirect.gather @!p0 [hbm4b:s3+s5], $0x20, s7, s5, $0xb8;
	[tilespmem:$0x10800] =	vst v63  }
0x125: {  	s7 =	simm.s32 @!p0 $0x180;
	s8 =	simm.s32 @!p0 $0x3800  }
0x126: {  	[tilespmem:s8], [sflag:$0x1] =	stream.indirect.gather @!p0 [hbm4b:s3+s5], $0x20, s7, s5, $0xb8;
	[tilespmem:$0x10800] =	vst v63  }
0x127: {  	s7 =	simm.s32 @!p0 $0x200;
	s8 =	simm.s32 @!p0 $0x4800  }
0x128: {  	[tilespmem:s8], [sflag:$0x1] =	stream.indirect.gather @!p0 [hbm4b:s3+s5], $0x20, s7, s5, $0xb8;
	[tilespmem:$0x10800] =	vst v63  }
0x129: {  	s7 =	simm.s32 @!p0 $0x280;
	s8 =	simm.s32 @!p0 $0x5800  }
0x12a: {  	[tilespmem:s8], [sflag:$0x1] =	stream.indirect.gather @!p0 [hbm4b:s3+s5], $0x20, s7, s5, $0xb8;
	[tilespmem:$0x10800] =	vst v63  }
0x12b: {  	s7 =	simm.s32 @!p0 $0x300;
	s8 =	simm.s32 @!p0 $0x6800  }
0x12c: {  	[tilespmem:s8], [sflag:$0x1] =	stream.indirect.gather @!p0 [hbm4b:s3+s5], $0x20, s7, s5, $0xb8;
	[tilespmem:$0x10800] =	vst v63  }
0x12d: {  	s7 =	simm.s32 @!p0 $0x380;
	s8 =	simm.s32 @!p0 $0x7800  }
0x12e: {  	[tilespmem:s8], [sflag:$0x1] =	stream.indirect.gather @!p0 [hbm4b:s3+s5], $0x20, s7, s5, $0xb8;
	[tilespmem:$0x10800] =	vst v63  }
0x12f: {  	s5 =	simm.s32 @!p0 $0x1  }
0x130: {  	_ =	swait.ge @!p0 [sflag:s5], $0x1000  }
0x131: {  	[sflag:s5] =	ssyncset.done @!p0 $0x0  }
0x132: {  	[sflag:s5] =	ssyncadd.s32 @!p0 $0xFFFFF000  }
0x133: {  	_ =	swait.ge @!p0 [sflag:s5], $0x1000  }
0x134: {  	[sflag:s5] =	ssyncset.done @!p0 $0x0  }
0x135: {  	[sflag:s5] =	ssyncadd.s32 @!p0 $0xFFFFF000  }
0x136: {  	_ =	swait.ge @!p0 [sflag:s5], $0x1000  }
0x137: {  	[sflag:s5] =	ssyncset.done @!p0 $0x0  }
0x138: {  	[sflag:s5] =	ssyncadd.s32 @!p0 $0xFFFFF000  }
0x139: {  	_ =	swait.ge @!p0 [sflag:s5], $0x1000  }
0x13a: {  	[sflag:s5] =	ssyncset.done @!p0 $0x0  }
0x13b: {  	[sflag:s5] =	ssyncadd.s32 @!p0 $0xFFFFF000  }
0x13c: {  	_ =	swait.ge @!p0 [sflag:s5], $0x1000  }
0x13d: {  	[sflag:s5] =	ssyncset.done @!p0 $0x0  }
0x13e: {  	[sflag:s5] =	ssyncadd.s32 @!p0 $0xFFFFF000  }
0x13f: {  	_ =	swait.ge @!p0 [sflag:s5], $0x1000  }
0x140: {  	[sflag:s5] =	ssyncset.done @!p0 $0x0  }
0x141: {  	[sflag:s5] =	ssyncadd.s32 @!p0 $0xFFFFF000  }
0x142: {  	_ =	swait.ge @!p0 [sflag:s5], $0x1000  }
0x143: {  	[sflag:s5] =	ssyncset.done @!p0 $0x0  }
0x144: {  	[sflag:s5] =	ssyncadd.s32 @!p0 $0xFFFFF000  }
0x145: {  	_ =	swait.ge @!p0 [sflag:s5], $0x1000  }
0x146: {  	[sflag:s5] =	ssyncset.done @!p0 $0x0  }
0x147: {  	[sflag:s5] =	ssyncadd.s32 @!p0 $0xFFFFF000;
	s5 =	rddreg [dreg:$0x16]  }
0x148: {  	[hbm4b:s5+s1] =	stream.linear.scatter @!p0 [tilespmem:s6], [sflag:$0x3], $0x8000, $0x38;
	[tilespmem:$0x10800] =	vst v63  }
0x149: {  	_ =	swait.ge @!p0 [sflag:s4], $0x8000  }
0x14a: {  	s15 =	rddreg [dreg:$0x1a]  }
0x14b: {  	s16 =	rddreg [dreg:$0x17];
	s5 =	sadd.s32 $0x1, s15  }
0x14c: {  	p1 =	sne.s32 s5, s16  }
.Ltmp1:
0x14d: {  	_ = 	snop;
	(pc) =	sbr.rel @p1 .LBB2_1-.Ltmp1, $3  }
0x14e: {  	_ =	sdelay $0x1  }
0x14f: {  	[sflag:s4] =	ssyncset.done @!p0 $0x0  }
0x150: {  	[sflag:s4] =	ssyncadd.s32 @!p0 $0xFFFF8000  }
0x151: {  	_ =	sfence.sel $0x180000  }
0x152: {  	[bflag:$0x0] =	sbarrier.arrive $0xFFFF  }
0x153: {  	_ =	strace $0x90000047  }
0x154: {  	s0 =	stileid.u32;
	[bflag:$0x2] =	sbarrier.arrive $0xFFFF  }
0x155: {  	p0 =	sne.s32 s0, $0x0;
	s0 =	rddreg [dreg:$0x3]  }
0x156: {  	s0 =	sadd.s32 @!p0 $0x100000, s0  }
0x157: {  	[sflag:s0] =	ssyncadd.tile.s32 @!p0 $0x1;
	_ =	shalt  }
.Lfunc_end2:
_tile_overlayer_lowered:
.L_overlay_start_2:
0x158: {  	(tag) =	ssettag $0x2  }
0x159: {  	s0 =	rddreg [dreg:$0x0];
	s2 =	stileid.u32  }
0x15a: {  	s1 =	rddreg [dreg:$0x1];
	p0 =	sne.s32 s2, $0x0  }
0x15b: {  	s3 =	rddreg [dreg:$0x2];
	[bflag:$0x3] =	sbarrier.arrive $0xFFFF;
	s2 =	simm.s32 @!p0 $0x1C03  }
0x15c: {  	[timem:s3], [sflag:s2] =	dma.local @!p0 [hbm:s0], s1  }
0x15d: {  	s0 =	simm.s32 @!p0 $0x3  }
0x15e: {  	_ =	swait.ge @!p0 [sflag:s0], s1  }
0x15f: {  	s1 =	ssub.s32 @!p0 $0x0, s1;
	[sflag:s0] =	ssyncset.done @!p0 $0x0  }
0x160: {  	[sflag:s0] =	ssyncadd.s32 @!p0 s1  }
0x161: {  	[bflag:$0x3] =	sbarrier.arrive $0xFFFF  }
0x162: {  	_ =	shalt  }

</sc_bundles>
